<compile_context>
chip_gen: v7x
topology: tpu7x:2x2x1
jax: 0.10.2.dev20260603
libtpu: 0.0.44.dev20260713+nightly
codegen_flags: <defaults>
</compile_context>

<pallas_src>
import functools

import jax
import jax.numpy as jnp
from jax import lax
from jax.experimental import pallas as pl
from jax.experimental.pallas import tpu as pltpu
from jax.experimental.pallas import tpu_sc as plsc

T = 2048
D = 1024
E = 8
K = 2
F = 512
ROUTED_SCALE = 1.0
EPS = 1e-20

LANES = 128
BM = 512
BM_LOG2 = BM.bit_length() - 1
M_PAD = T * K + E * BM
NT = M_PAD // BM
CB = 256
NB = T // CB
NW = 32
TPW = T // NW
DH = D // 2



def _routing_body(x_ref, g_ref, b_ref, posw_ref, w1_ref, w2_ref,
                  texp_ref, tact_ref, xpk_ref, c1_scr, c2_scr):
    x = x_ref[...]
    xi = lax.bitcast_convert_type(x, jnp.int32)
    rb = jnp.bitwise_and(lax.shift_right_logical(xi, 16), 1) + 0x7FFF
    xr = xi + rb
    lo = lax.shift_right_logical(xr[:, :DH], 16)
    hi = jnp.bitwise_and(xr[:, DH:], jnp.int32(-65536))
    xpk_ref[...] = jnp.bitwise_or(lo, hi)
    logits8 = lax.dot_general(x, g_ref[...], (((1,), (1,)), ((), ())),
                              preferred_element_type=jnp.float32)
    scores8 = jax.nn.sigmoid(logits8)
    lane = lax.broadcasted_iota(jnp.int32, (T, LANES), 1)
    scores = jnp.concatenate(
        [scores8, jnp.zeros((T, LANES - E), jnp.float32)], axis=1)
    choice = jnp.concatenate(
        [scores8 + b_ref[...], jnp.full((T, LANES - E), -1e30, jnp.float32)],
        axis=1)
    m1 = jnp.max(choice, axis=1, keepdims=True)
    i1 = jnp.min(jnp.where(choice >= m1, lane, LANES), axis=1, keepdims=True)
    sel1 = lane == i1
    w1 = jnp.sum(jnp.where(sel1, scores, 0.0), axis=1, keepdims=True)
    choice2 = jnp.where(sel1, -1e30, choice)
    m2 = jnp.max(choice2, axis=1, keepdims=True)
    i2 = jnp.min(jnp.where(choice2 >= m2, lane, LANES), axis=1, keepdims=True)
    sel2 = lane == i2
    w2 = jnp.sum(jnp.where(sel2, scores, 0.0), axis=1, keepdims=True)
    den = w1 + w2 + EPS
    w1 = w1 / den * ROUTED_SCALE
    w2 = w2 / den * ROUTED_SCALE
    w1_ref[...] = jnp.broadcast_to(w1, (T, LANES))
    w2_ref[...] = jnp.broadcast_to(w2, (T, LANES))

    oh1 = sel1.astype(jnp.float32)
    oh2 = sel2.astype(jnp.float32)
    c1_scr[...] = oh1
    c2_scr[...] = oh2
    ltexc = (lax.broadcasted_iota(jnp.int32, (CB, CB), 0)
             > lax.broadcasted_iota(jnp.int32, (CB, CB), 1)).astype(jnp.float32)

    def blk(b, carry):
        car1, car2 = carry
        s = pl.ds(b * CB, CB)
        blk1 = c1_scr[s, :]
        blk2 = c2_scr[s, :]
        c1_scr[s, :] = lax.dot_general(
            ltexc, blk1, (((1,), (0,)), ((), ())),
            preferred_element_type=jnp.float32) + car1
        c2_scr[s, :] = lax.dot_general(
            ltexc, blk2, (((1,), (0,)), ((), ())),
            preferred_element_type=jnp.float32) + car2
        return (car1 + jnp.sum(blk1, axis=0, keepdims=True),
                car2 + jnp.sum(blk2, axis=0, keepdims=True))

    zero = jnp.zeros((1, LANES), jnp.float32)
    tot1, tot2 = lax.fori_loop(0, NB, blk, (zero, zero))

    counts = (tot1 + tot2).astype(jnp.int32)
    padded = lax.shift_left(
        lax.shift_right_logical(counts + (BM - 1), BM_LOG2), BM_LOG2)
    lte = (lax.broadcasted_iota(jnp.int32, (LANES, LANES), 0)
           < lax.broadcasted_iota(jnp.int32, (LANES, LANES), 1)).astype(jnp.float32)
    seg = lax.dot_general(padded.astype(jnp.float32), lte,
                          (((1,), (0,)), ((), ())),
                          preferred_element_type=jnp.float32)
    c1v = c1_scr[...]
    c2v = c2_scr[...]
    pos1 = jnp.sum((seg + c1v) * oh1, axis=1, keepdims=True)
    pos2 = jnp.sum((seg + tot1 + c2v) * oh2, axis=1, keepdims=True)
    tok0 = lax.broadcasted_iota(jnp.int32, (T, LANES), 0)
    eqj = (lane == jnp.bitwise_and(tok0, TPW - 1)).astype(jnp.float32)
    wsel = (lax.broadcasted_iota(jnp.int32, (NW, T), 0)
            == lax.shift_right_logical(
                lax.broadcasted_iota(jnp.int32, (NW, T), 1), 6)
            ).astype(jnp.float32)
    cdims = (((1,), (0,)), ((), ()))

    def relayout(posv):
        p_hi = jnp.floor(posv * (1.0 / 32.0))
        p_lo = posv - 32.0 * p_hi
        hi = lax.dot_general(wsel, p_hi * eqj, cdims,
                             preferred_element_type=jnp.float32)
        lo = lax.dot_general(wsel, p_lo * eqj, cdims,
                             preferred_element_type=jnp.float32)
        return 32.0 * hi + lo

    posw_ref[...] = jnp.concatenate(
        [relayout(pos1), relayout(pos2)], axis=0).astype(jnp.int32)

    segi = seg.astype(jnp.int32)
    tstart = lax.broadcasted_iota(jnp.int32, (32, LANES), 0) * BM
    act2 = (segi <= tstart) & (tstart < segi + counts)
    lane2 = lax.broadcasted_iota(jnp.int32, (32, LANES), 1)
    tact = jnp.sum(act2.astype(jnp.int32), axis=1, keepdims=True)
    texp = jnp.where(tact == 1,
                     jnp.sum(jnp.where(act2, lane2, 0), axis=1, keepdims=True),
                     E - 1)
    texp_ref[...] = jnp.broadcast_to(texp, (32, LANES))
    tact_ref[...] = jnp.broadcast_to(tact, (32, LANES))


def _routing_call(x, gate_w, bias_2d):
    return pl.pallas_call(
        _routing_body,
        out_shape=(
            jax.ShapeDtypeStruct((2 * NW, LANES), jnp.int32),
            jax.ShapeDtypeStruct((T, LANES), jnp.float32),
            jax.ShapeDtypeStruct((T, LANES), jnp.float32),
            jax.ShapeDtypeStruct((32, LANES), jnp.int32),
            jax.ShapeDtypeStruct((32, LANES), jnp.int32),
            jax.ShapeDtypeStruct((T, DH), jnp.int32),
        ),
        scratch_shapes=[
            pltpu.VMEM((T, LANES), jnp.float32),
            pltpu.VMEM((T, LANES), jnp.float32),
        ],
    )(x, gate_w, bias_2d)



def _gmm_body(texp_ref, tact_ref, xs_ref, wg_ref, wu_ref, wd_ref, y_ref,
              wgbf_scr, wubf_scr, wdbf_scr):
    i = pl.program_id(0)
    changed = jnp.logical_or(
        i == 0, texp_ref[i] != texp_ref[jnp.maximum(i - 1, 0)])

    @pl.when(jnp.logical_and(tact_ref[i] == 1, changed))
    def _():
        wgbf_scr[...] = wg_ref[0].astype(jnp.bfloat16)
        wubf_scr[...] = wu_ref[0].astype(jnp.bfloat16)
        wdbf_scr[...] = wd_ref[0].astype(jnp.bfloat16)

    @pl.when(tact_ref[i] == 1)
    def _():
        pk = xs_ref[...]
        xlo = lax.bitcast_convert_type(
            lax.shift_left(pk, 16), jnp.float32).astype(jnp.bfloat16)
        xhi = lax.bitcast_convert_type(
            jnp.bitwise_and(pk, jnp.int32(-65536)), jnp.float32).astype(jnp.bfloat16)
        xt = jnp.concatenate([xlo, xhi], axis=1)
        g = jnp.dot(xt, wgbf_scr[...], preferred_element_type=jnp.float32)
        u = jnp.dot(xt, wubf_scr[...], preferred_element_type=jnp.float32)
        act = g * jax.nn.sigmoid(g) * u
        yv = jnp.dot(act.astype(jnp.bfloat16), wdbf_scr[...],
                     preferred_element_type=jnp.float32)
        yi = lax.bitcast_convert_type(yv, jnp.int32)
        rb = jnp.bitwise_and(lax.shift_right_logical(yi, 16), 1) + 0x7FFF
        yr = yi + rb
        y_ref[...] = jnp.bitwise_or(
            lax.shift_right_logical(yr[:, :DH], 16),
            jnp.bitwise_and(yr[:, DH:], jnp.int32(-65536)))


def _gmm_call(texp, tact, xs, w_gate, w_up, w_down):
    grid_spec = pltpu.PrefetchScalarGridSpec(
        num_scalar_prefetch=2,
        grid=(NT,),
        in_specs=[
            pl.BlockSpec((BM, DH),
                         lambda i, texp, tact: (jnp.where(tact[i] == 1, i, 0), 0)),
            pl.BlockSpec((1, D, F), lambda i, texp, tact: (texp[i], 0, 0)),
            pl.BlockSpec((1, D, F), lambda i, texp, tact: (texp[i], 0, 0)),
            pl.BlockSpec((1, F, D), lambda i, texp, tact: (texp[i], 0, 0)),
        ],
        out_specs=pl.BlockSpec((BM, DH), lambda i, texp, tact: (i, 0)),
        scratch_shapes=[
            pltpu.VMEM((D, F), jnp.bfloat16),
            pltpu.VMEM((D, F), jnp.bfloat16),
            pltpu.VMEM((F, D), jnp.bfloat16),
        ],
    )
    return pl.pallas_call(
        _gmm_body,
        grid_spec=grid_spec,
        out_shape=jax.ShapeDtypeStruct((M_PAD, DH), jnp.int32),
    )(texp, tact, xs, w_gate, w_up, w_down)



def _dispatch_body(x_hbm, pos_hbm, xs_hbm, xbuf, idx0, idx1, sem):
    w = lax.axis_index("s") * 2 + lax.axis_index("c")
    base = w * TPW
    c0 = pltpu.async_copy(x_hbm.at[pl.ds(base, TPW)], xbuf, sem)
    c1 = pltpu.async_copy(pos_hbm.at[w, pl.ds(0, TPW)], idx0, sem)
    c2 = pltpu.async_copy(pos_hbm.at[NW + w, pl.ds(0, TPW)], idx1, sem)
    c0.wait(); c1.wait(); c2.wait()
    s0 = pltpu.async_copy(xbuf, xs_hbm.at[idx0], sem)
    s1 = pltpu.async_copy(xbuf, xs_hbm.at[idx1], sem)
    s0.wait(); s1.wait()


@functools.cache
def _dispatch_kernel():
    mesh = plsc.VectorSubcoreMesh(core_axis_name="c", subcore_axis_name="s")
    return pl.kernel(
        _dispatch_body,
        out_type=jax.ShapeDtypeStruct((M_PAD, DH), jnp.int32),
        mesh=mesh,
        scratch_types=[
            pltpu.VMEM((TPW, DH), jnp.int32),
            pltpu.VMEM((TPW,), jnp.int32),
            pltpu.VMEM((TPW,), jnp.int32),
            pltpu.SemaphoreType.DMA,
        ],
    )



HT = TPW // 2


def _combine_body(y_hbm, pos_hbm, y0_hbm, y1_hbm, ybuf0, ybuf1, idx0, idx1, sem):
    w = lax.axis_index("s") * 2 + lax.axis_index("c")
    base = w * TPW
    c1 = pltpu.async_copy(pos_hbm.at[w, pl.ds(0, TPW)], idx0, sem)
    c2 = pltpu.async_copy(pos_hbm.at[NW + w, pl.ds(0, TPW)], idx1, sem)
    c1.wait(); c2.wait()
    g0 = pltpu.async_copy(y_hbm.at[idx0], ybuf0, sem)
    g1 = pltpu.async_copy(y_hbm.at[idx1], ybuf1, sem)
    g0.wait(); g1.wait()
    s0 = pltpu.async_copy(ybuf0, y0_hbm.at[pl.ds(base, TPW)], sem)
    s1 = pltpu.async_copy(ybuf1, y1_hbm.at[pl.ds(base, TPW)], sem)
    s0.wait(); s1.wait()


@functools.cache
def _combine_kernel():
    mesh = plsc.VectorSubcoreMesh(core_axis_name="c", subcore_axis_name="s")
    return pl.kernel(
        _combine_body,
        out_type=(
            jax.ShapeDtypeStruct((T, DH), jnp.int32),
            jax.ShapeDtypeStruct((T, DH), jnp.int32),
        ),
        mesh=mesh,
        scratch_types=[
            pltpu.VMEM((TPW, DH), jnp.int32),
            pltpu.VMEM((TPW, DH), jnp.int32),
            pltpu.VMEM((TPW,), jnp.int32),
            pltpu.VMEM((TPW,), jnp.int32),
            pltpu.SemaphoreType.DMA,
        ],
    )



def _final_body(y0_ref, y1_ref, w1_ref, w2_ref, o_ref):
    pk0 = y0_ref[...]
    pk1 = y1_ref[...]
    w1 = w1_ref[:, :1]
    w2 = w2_ref[:, :1]
    lo = (w1 * lax.bitcast_convert_type(lax.shift_left(pk0, 16), jnp.float32)
          + w2 * lax.bitcast_convert_type(lax.shift_left(pk1, 16), jnp.float32))
    hi = (w1 * lax.bitcast_convert_type(
              jnp.bitwise_and(pk0, jnp.int32(-65536)), jnp.float32)
          + w2 * lax.bitcast_convert_type(
              jnp.bitwise_and(pk1, jnp.int32(-65536)), jnp.float32))
    o_ref[...] = jnp.concatenate([lo, hi], axis=1)


def _final_call(y0, y1, w1b, w2b):
    return pl.pallas_call(
        _final_body,
        grid=(T // BM,),
        in_specs=[
            pl.BlockSpec((BM, DH), lambda i: (i, 0)),
            pl.BlockSpec((BM, DH), lambda i: (i, 0)),
            pl.BlockSpec((BM, LANES), lambda i: (i, 0)),
            pl.BlockSpec((BM, LANES), lambda i: (i, 0)),
        ],
        out_specs=pl.BlockSpec((BM, D), lambda i: (i, 0)),
        out_shape=jax.ShapeDtypeStruct((T, D), jnp.float32),
    )(y0, y1, w1b, w2b)



def kernel(hidden_states, gate_w, router_bias, w_gate, w_up, w_down):
    x = hidden_states.astype(jnp.float32)
    bias_2d = router_bias.reshape(1, E)

    posw, w1b, w2b, texp_b, tact_b, x_pk = _routing_call(x, gate_w, bias_2d)
    texp = texp_b[:NT, 0]
    tact = tact_b[:NT, 0]

    xs = _dispatch_kernel()(x_pk, posw)
    y = _gmm_call(texp, tact, xs, w_gate, w_up, w_down)
    y0, y1 = _combine_kernel()(y, posw)
    return _final_call(y0, y1, w1b, w2b)

# --- scband reference (transcript-rebuilt; emitter-appended) ---
"""Pipeline reference for scband-step3p5-mo-emlp-82145544503834 (READ-ONLY COPY).

The authoritative reference and input builder live on the scoring server;
editing this copy changes nothing except your own understanding.
"""

import jax, jax.numpy as jnp
import numpy as np

T = 2048
D = 1024
E = 8
K = 2
F = 512
ROUTED_SCALE = 1.0
EPS = 1e-20


def setup_inputs(seed: int = 0) -> dict:
    key = jax.random.key(seed)
    ks = jax.random.split(key, 6)
    hidden_states = jax.random.normal(ks[0], (T, D), dtype=jnp.float32)
    gate_w = jax.random.normal(ks[1], (E, D), dtype=jnp.float32) * 0.02
    router_bias = jnp.zeros((E,), dtype=jnp.float32)  # correction_bias param (requires_grad=False)
    w_gate = jax.random.normal(ks[2], (E, D, F), dtype=jnp.float32) * 0.02
    w_up = jax.random.normal(ks[3], (E, D, F), dtype=jnp.float32) * 0.02
    w_down = jax.random.normal(ks[4], (E, F, D), dtype=jnp.float32) * 0.02
    return {"hidden_states": hidden_states, "gate_w": gate_w, "router_bias": router_bias,
            "w_gate": w_gate, "w_up": w_up, "w_down": w_down}


def reference(hidden_states, gate_w, router_bias, w_gate, w_up, w_down):
    num_tokens, hidden_dim = hidden_states.shape
    x = hidden_states.reshape(-1, hidden_dim)
    # need_fp32_gate: router logits computed in fp32 (ReplicatedLinear, no bias)
    router_logits = jnp.matmul(x.astype(jnp.float32), gate_w.T.astype(jnp.float32))
    # TopK(scoring_func='sigmoid', correction_bias=router_bias, renormalize=True)
    scores = jax.nn.sigmoid(router_logits)
    scores_for_choice = scores + router_bias[None, :]
    _, topk_ids = jax.lax.top_k(scores_for_choice, K)
    topk_weights = jnp.take_along_axis(scores, topk_ids, axis=1)
    topk_weights = topk_weights / (jnp.sum(topk_weights, axis=1, keepdims=True) + EPS)
    # routed_scaling_factor applied to topk weights
    topk_weights = topk_weights * ROUTED_SCALE
    # scatter topk weights into dense [T, E] combine matrix
    combine = jnp.zeros((x.shape[0], E), dtype=jnp.float32)
    combine = combine.at[jnp.arange(x.shape[0])[:, None], topk_ids].add(topk_weights)
    # Experts: SwiGLU MLP per expert (swiglu_limit=0 -> limit=None, no clamp)
    g = jnp.einsum('td,edf->etf', x, w_gate)
    u = jnp.einsum('td,edf->etf', x, w_up)
    act = jax.nn.silu(g) * u
    y = jnp.einsum('etf,efd->etd', act, w_down)
    out = jnp.einsum('te,etd->td', combine.astype(x.dtype), y)
    return out.reshape(num_tokens, hidden_dim)

if __name__ == "__main__":
    import jax
    _d = setup_inputs()
    print(jax.jit(kernel)(*tuple(_d.values())))

</pallas_src>

<mosaic_0001>
#map = affine_map<(d0, d1) -> (0, 0)>
module attributes {stable_mosaic.version = 14 : i64} {
  func.func @_dispatch_body(%arg0: i32, %arg1: i32, %arg2: memref<2048x512xi32, #tpu.memory_space<hbm>>, %arg3: memref<64x128xi32, #tpu.memory_space<hbm>>, %arg4: memref<8192x512xi32, #tpu.memory_space<hbm>>, %arg5: memref<64x512xi32, #tpu.memory_space<vmem>>, %arg6: memref<64xi32, #tpu.memory_space<vmem>>, %arg7: memref<64xi32, #tpu.memory_space<vmem>>, %arg8: memref<!tpu.dma_semaphore, #tpu.memory_space<semaphore_mem>>) attributes {dimension_semantics = [#tpu.dimension_semantics<core_parallel>, #tpu.dimension_semantics<subcore_parallel>], iteration_bounds = array<i64: 2, 16>, scalar_prefetch = 0 : i64, scratch_operands = 4 : i64, tpu.core_type = #tpu.core_type<sc_vector_subcore>, window_params = [{transform_indices = #map}, {transform_indices = #map}, {transform_indices = #map}]} {
    %mul3A = arith.constant 2 : i32
    %mul3A_0 = arith.muli %arg1, %mul3A : i32
    %add3A = arith.addi %mul3A_0, %arg0 : i32
    %mul3A_1 = arith.constant 64 : i32
    %mul3A_2 = arith.muli %add3A, %mul3A_1 : i32
    %dma_start3A = arith.constant 0 : i32
    %dma_start3A_3 = tpu.memref_slice %arg2[%mul3A_2, %dma_start3A] : memref<2048x512xi32, #tpu.memory_space<hbm>> -> memref<64x512xi32, #tpu.memory_space<hbm>>
    %dma_start3A_4 = arith.constant 0 : i32
    %dma_start3A_5 = tpu.memref_slice %arg2[%mul3A_2, %dma_start3A_4] : memref<2048x512xi32, #tpu.memory_space<hbm>> -> memref<64x512xi32, #tpu.memory_space<hbm>>
    tpu.enqueue_dma source(%dma_start3A_5 : memref<64x512xi32, #tpu.memory_space<hbm>>) target(%arg5 : memref<64x512xi32, #tpu.memory_space<vmem>>) target_semaphore(%arg8 : memref<!tpu.dma_semaphore, #tpu.memory_space<semaphore_mem>>)
    %dma_start3A_6 = arith.constant 0 : i32
    %dma_start3A_7 = tpu.memref_slice %arg3[%add3A, %dma_start3A_6] : memref<64x128xi32, #tpu.memory_space<hbm>> -> memref<1x64xi32, #tpu.memory_space<hbm>>
    %dma_start3A_8 = tpu.memref_squeeze %dma_start3A_7 : memref<1x64xi32, #tpu.memory_space<hbm>> -> memref<64xi32, #tpu.memory_space<hbm>>
    %dma_start3A_9 = arith.constant 0 : i32
    %dma_start3A_10 = tpu.memref_slice %arg3[%add3A, %dma_start3A_9] : memref<64x128xi32, #tpu.memory_space<hbm>> -> memref<1x64xi32, #tpu.memory_space<hbm>>
    %dma_start3A_11 = tpu.memref_squeeze %dma_start3A_10 : memref<1x64xi32, #tpu.memory_space<hbm>> -> memref<64xi32, #tpu.memory_space<hbm>>
    tpu.enqueue_dma source(%dma_start3A_11 : memref<64xi32, #tpu.memory_space<hbm>>) target(%arg6 : memref<64xi32, #tpu.memory_space<vmem>>) target_semaphore(%arg8 : memref<!tpu.dma_semaphore, #tpu.memory_space<semaphore_mem>>)
    %add3A_12 = arith.constant 32 : i32
    %add3A_13 = arith.addi %add3A_12, %add3A : i32
    %dma_start3A_14 = arith.constant 0 : i32
    %dma_start3A_15 = tpu.memref_slice %arg3[%add3A_13, %dma_start3A_14] : memref<64x128xi32, #tpu.memory_space<hbm>> -> memref<1x64xi32, #tpu.memory_space<hbm>>
    %dma_start3A_16 = tpu.memref_squeeze %dma_start3A_15 : memref<1x64xi32, #tpu.memory_space<hbm>> -> memref<64xi32, #tpu.memory_space<hbm>>
    %dma_start3A_17 = arith.constant 0 : i32
    %dma_start3A_18 = tpu.memref_slice %arg3[%add3A_13, %dma_start3A_17] : memref<64x128xi32, #tpu.memory_space<hbm>> -> memref<1x64xi32, #tpu.memory_space<hbm>>
    %dma_start3A_19 = tpu.memref_squeeze %dma_start3A_18 : memref<1x64xi32, #tpu.memory_space<hbm>> -> memref<64xi32, #tpu.memory_space<hbm>>
    tpu.enqueue_dma source(%dma_start3A_19 : memref<64xi32, #tpu.memory_space<hbm>>) target(%arg7 : memref<64xi32, #tpu.memory_space<vmem>>) target_semaphore(%arg8 : memref<!tpu.dma_semaphore, #tpu.memory_space<semaphore_mem>>)
    %dma_wait3A = arith.constant 0 : i32
    %dma_wait3A_20 = tpu.memref_slice %arg2[%mul3A_2, %dma_wait3A] : memref<2048x512xi32, #tpu.memory_space<hbm>> -> memref<64x512xi32, #tpu.memory_space<hbm>>
    %dma_wait3A_21 = arith.constant 0 : i32
    %dma_wait3A_22 = tpu.memref_slice %arg2[%mul3A_2, %dma_wait3A_21] : memref<2048x512xi32, #tpu.memory_space<hbm>> -> memref<64x512xi32, #tpu.memory_space<hbm>>
    tpu.wait_dma2 semaphore(%arg8 : memref<!tpu.dma_semaphore, #tpu.memory_space<semaphore_mem>>) src(%dma_wait3A_22 : memref<64x512xi32, #tpu.memory_space<hbm>>) dst(%arg5 : memref<64x512xi32, #tpu.memory_space<vmem>>)
    %dma_wait3A_23 = arith.constant 0 : i32
    %dma_wait3A_24 = tpu.memref_slice %arg3[%add3A, %dma_wait3A_23] : memref<64x128xi32, #tpu.memory_space<hbm>> -> memref<1x64xi32, #tpu.memory_space<hbm>>
    %dma_wait3A_25 = tpu.memref_squeeze %dma_wait3A_24 : memref<1x64xi32, #tpu.memory_space<hbm>> -> memref<64xi32, #tpu.memory_space<hbm>>
    %dma_wait3A_26 = arith.constant 0 : i32
    %dma_wait3A_27 = tpu.memref_slice %arg3[%add3A, %dma_wait3A_26] : memref<64x128xi32, #tpu.memory_space<hbm>> -> memref<1x64xi32, #tpu.memory_space<hbm>>
    %dma_wait3A_28 = tpu.memref_squeeze %dma_wait3A_27 : memref<1x64xi32, #tpu.memory_space<hbm>> -> memref<64xi32, #tpu.memory_space<hbm>>
    tpu.wait_dma2 semaphore(%arg8 : memref<!tpu.dma_semaphore, #tpu.memory_space<semaphore_mem>>) src(%dma_wait3A_28 : memref<64xi32, #tpu.memory_space<hbm>>) dst(%arg6 : memref<64xi32, #tpu.memory_space<vmem>>)
    %dma_wait3A_29 = arith.constant 0 : i32
    %dma_wait3A_30 = tpu.memref_slice %arg3[%add3A_13, %dma_wait3A_29] : memref<64x128xi32, #tpu.memory_space<hbm>> -> memref<1x64xi32, #tpu.memory_space<hbm>>
    %dma_wait3A_31 = tpu.memref_squeeze %dma_wait3A_30 : memref<1x64xi32, #tpu.memory_space<hbm>> -> memref<64xi32, #tpu.memory_space<hbm>>
    %dma_wait3A_32 = arith.constant 0 : i32
    %dma_wait3A_33 = tpu.memref_slice %arg3[%add3A_13, %dma_wait3A_32] : memref<64x128xi32, #tpu.memory_space<hbm>> -> memref<1x64xi32, #tpu.memory_space<hbm>>
    %dma_wait3A_34 = tpu.memref_squeeze %dma_wait3A_33 : memref<1x64xi32, #tpu.memory_space<hbm>> -> memref<64xi32, #tpu.memory_space<hbm>>
    tpu.wait_dma2 semaphore(%arg8 : memref<!tpu.dma_semaphore, #tpu.memory_space<semaphore_mem>>) src(%dma_wait3A_34 : memref<64xi32, #tpu.memory_space<hbm>>) dst(%arg7 : memref<64xi32, #tpu.memory_space<vmem>>)
    %dma_start3A_35 = arith.constant 0 : i32
    %dma_start3A_36 = arith.constant 0 : i32
    %dma_start3A_37 = tpu.memref_slice %arg4[%dma_start3A_35, %dma_start3A_36] : memref<8192x512xi32, #tpu.memory_space<hbm>> -> memref<8192x512xi32, #tpu.memory_space<hbm>>
    tpu.enqueue_indirect_dma source(%arg5 : memref<64x512xi32, #tpu.memory_space<vmem>>) target(%dma_start3A_37 : memref<8192x512xi32, #tpu.memory_space<hbm>>) offsets(%arg6 : memref<64xi32, #tpu.memory_space<vmem>>) semaphore(%arg8 : memref<!tpu.dma_semaphore, #tpu.memory_space<semaphore_mem>>)
    %dma_start3A_38 = arith.constant 0 : i32
    %dma_start3A_39 = arith.constant 0 : i32
    %dma_start3A_40 = tpu.memref_slice %arg4[%dma_start3A_38, %dma_start3A_39] : memref<8192x512xi32, #tpu.memory_space<hbm>> -> memref<8192x512xi32, #tpu.memory_space<hbm>>
    tpu.enqueue_indirect_dma source(%arg5 : memref<64x512xi32, #tpu.memory_space<vmem>>) target(%dma_start3A_40 : memref<8192x512xi32, #tpu.memory_space<hbm>>) offsets(%arg7 : memref<64xi32, #tpu.memory_space<vmem>>) semaphore(%arg8 : memref<!tpu.dma_semaphore, #tpu.memory_space<semaphore_mem>>)
    %dma_wait3A_41 = arith.constant 0 : i32
    %dma_wait3A_42 = arith.constant 0 : i32
    %dma_wait3A_43 = tpu.memref_slice %arg4[%dma_wait3A_41, %dma_wait3A_42] : memref<8192x512xi32, #tpu.memory_space<hbm>> -> memref<8192x512xi32, #tpu.memory_space<hbm>>
    tpu.wait_indirect_dma semaphore(%arg8 : memref<!tpu.dma_semaphore, #tpu.memory_space<semaphore_mem>>) src(%arg5 : memref<64x512xi32, #tpu.memory_space<vmem>>) dst(%dma_wait3A_43 : memref<8192x512xi32, #tpu.memory_space<hbm>>)
    %dma_wait3A_44 = arith.constant 0 : i32
    %dma_wait3A_45 = arith.constant 0 : i32
    %dma_wait3A_46 = tpu.memref_slice %arg4[%dma_wait3A_44, %dma_wait3A_45] : memref<8192x512xi32, #tpu.memory_space<hbm>> -> memref<8192x512xi32, #tpu.memory_space<hbm>>
    tpu.wait_indirect_dma semaphore(%arg8 : memref<!tpu.dma_semaphore, #tpu.memory_space<semaphore_mem>>) src(%arg5 : memref<64x512xi32, #tpu.memory_space<vmem>>) dst(%dma_wait3A_46 : memref<8192x512xi32, #tpu.memory_space<hbm>>)
    return
  }
}

#map = affine_map<(d0, d1) -> (0, 0)>
module attributes {stable_mosaic.version = 14 : i64} {
  func.func @_combine_body(%arg0: i32, %arg1: i32, %arg2: memref<8192x512xi32, #tpu.memory_space<hbm>>, %arg3: memref<64x128xi32, #tpu.memory_space<hbm>>, %arg4: memref<2048x512xi32, #tpu.memory_space<hbm>>, %arg5: memref<2048x512xi32, #tpu.memory_space<hbm>>, %arg6: memref<64x512xi32, #tpu.memory_space<vmem>>, %arg7: memref<64x512xi32, #tpu.memory_space<vmem>>, %arg8: memref<64xi32, #tpu.memory_space<vmem>>, %arg9: memref<64xi32, #tpu.memory_space<vmem>>, %arg10: memref<!tpu.dma_semaphore, #tpu.memory_space<semaphore_mem>>) attributes {dimension_semantics = [#tpu.dimension_semantics<core_parallel>, #tpu.dimension_semantics<subcore_parallel>], iteration_bounds = array<i64: 2, 16>, scalar_prefetch = 0 : i64, scratch_operands = 5 : i64, tpu.core_type = #tpu.core_type<sc_vector_subcore>, window_params = [{transform_indices = #map}, {transform_indices = #map}, {transform_indices = #map}, {transform_indices = #map}]} {
    %mul3A = arith.constant 2 : i32
    %mul3A_0 = arith.muli %arg1, %mul3A : i32
    %add3A = arith.addi %mul3A_0, %arg0 : i32
    %mul3A_1 = arith.constant 64 : i32
    %mul3A_2 = arith.muli %add3A, %mul3A_1 : i32
    %dma_start3A = arith.constant 0 : i32
    %dma_start3A_3 = tpu.memref_slice %arg3[%add3A, %dma_start3A] : memref<64x128xi32, #tpu.memory_space<hbm>> -> memref<1x64xi32, #tpu.memory_space<hbm>>
    %dma_start3A_4 = tpu.memref_squeeze %dma_start3A_3 : memref<1x64xi32, #tpu.memory_space<hbm>> -> memref<64xi32, #tpu.memory_space<hbm>>
    %dma_start3A_5 = arith.constant 0 : i32
    %dma_start3A_6 = tpu.memref_slice %arg3[%add3A, %dma_start3A_5] : memref<64x128xi32, #tpu.memory_space<hbm>> -> memref<1x64xi32, #tpu.memory_space<hbm>>
    %dma_start3A_7 = tpu.memref_squeeze %dma_start3A_6 : memref<1x64xi32, #tpu.memory_space<hbm>> -> memref<64xi32, #tpu.memory_space<hbm>>
    tpu.enqueue_dma source(%dma_start3A_7 : memref<64xi32, #tpu.memory_space<hbm>>) target(%arg8 : memref<64xi32, #tpu.memory_space<vmem>>) target_semaphore(%arg10 : memref<!tpu.dma_semaphore, #tpu.memory_space<semaphore_mem>>)
    %add3A_8 = arith.constant 32 : i32
    %add3A_9 = arith.addi %add3A_8, %add3A : i32
    %dma_start3A_10 = arith.constant 0 : i32
    %dma_start3A_11 = tpu.memref_slice %arg3[%add3A_9, %dma_start3A_10] : memref<64x128xi32, #tpu.memory_space<hbm>> -> memref<1x64xi32, #tpu.memory_space<hbm>>
    %dma_start3A_12 = tpu.memref_squeeze %dma_start3A_11 : memref<1x64xi32, #tpu.memory_space<hbm>> -> memref<64xi32, #tpu.memory_space<hbm>>
    %dma_start3A_13 = arith.constant 0 : i32
    %dma_start3A_14 = tpu.memref_slice %arg3[%add3A_9, %dma_start3A_13] : memref<64x128xi32, #tpu.memory_space<hbm>> -> memref<1x64xi32, #tpu.memory_space<hbm>>
    %dma_start3A_15 = tpu.memref_squeeze %dma_start3A_14 : memref<1x64xi32, #tpu.memory_space<hbm>> -> memref<64xi32, #tpu.memory_space<hbm>>
    tpu.enqueue_dma source(%dma_start3A_15 : memref<64xi32, #tpu.memory_space<hbm>>) target(%arg9 : memref<64xi32, #tpu.memory_space<vmem>>) target_semaphore(%arg10 : memref<!tpu.dma_semaphore, #tpu.memory_space<semaphore_mem>>)
    %dma_wait3A = arith.constant 0 : i32
    %dma_wait3A_16 = tpu.memref_slice %arg3[%add3A, %dma_wait3A] : memref<64x128xi32, #tpu.memory_space<hbm>> -> memref<1x64xi32, #tpu.memory_space<hbm>>
    %dma_wait3A_17 = tpu.memref_squeeze %dma_wait3A_16 : memref<1x64xi32, #tpu.memory_space<hbm>> -> memref<64xi32, #tpu.memory_space<hbm>>
    %dma_wait3A_18 = arith.constant 0 : i32
    %dma_wait3A_19 = tpu.memref_slice %arg3[%add3A, %dma_wait3A_18] : memref<64x128xi32, #tpu.memory_space<hbm>> -> memref<1x64xi32, #tpu.memory_space<hbm>>
    %dma_wait3A_20 = tpu.memref_squeeze %dma_wait3A_19 : memref<1x64xi32, #tpu.memory_space<hbm>> -> memref<64xi32, #tpu.memory_space<hbm>>
    tpu.wait_dma2 semaphore(%arg10 : memref<!tpu.dma_semaphore, #tpu.memory_space<semaphore_mem>>) src(%dma_wait3A_20 : memref<64xi32, #tpu.memory_space<hbm>>) dst(%arg8 : memref<64xi32, #tpu.memory_space<vmem>>)
    %dma_wait3A_21 = arith.constant 0 : i32
    %dma_wait3A_22 = tpu.memref_slice %arg3[%add3A_9, %dma_wait3A_21] : memref<64x128xi32, #tpu.memory_space<hbm>> -> memref<1x64xi32, #tpu.memory_space<hbm>>
    %dma_wait3A_23 = tpu.memref_squeeze %dma_wait3A_22 : memref<1x64xi32, #tpu.memory_space<hbm>> -> memref<64xi32, #tpu.memory_space<hbm>>
    %dma_wait3A_24 = arith.constant 0 : i32
    %dma_wait3A_25 = tpu.memref_slice %arg3[%add3A_9, %dma_wait3A_24] : memref<64x128xi32, #tpu.memory_space<hbm>> -> memref<1x64xi32, #tpu.memory_space<hbm>>
    %dma_wait3A_26 = tpu.memref_squeeze %dma_wait3A_25 : memref<1x64xi32, #tpu.memory_space<hbm>> -> memref<64xi32, #tpu.memory_space<hbm>>
    tpu.wait_dma2 semaphore(%arg10 : memref<!tpu.dma_semaphore, #tpu.memory_space<semaphore_mem>>) src(%dma_wait3A_26 : memref<64xi32, #tpu.memory_space<hbm>>) dst(%arg9 : memref<64xi32, #tpu.memory_space<vmem>>)
    %dma_start3A_27 = arith.constant 0 : i32
    %dma_start3A_28 = arith.constant 0 : i32
    %dma_start3A_29 = tpu.memref_slice %arg2[%dma_start3A_27, %dma_start3A_28] : memref<8192x512xi32, #tpu.memory_space<hbm>> -> memref<8192x512xi32, #tpu.memory_space<hbm>>
    tpu.enqueue_indirect_dma source(%dma_start3A_29 : memref<8192x512xi32, #tpu.memory_space<hbm>>) target(%arg6 : memref<64x512xi32, #tpu.memory_space<vmem>>) offsets(%arg8 : memref<64xi32, #tpu.memory_space<vmem>>) semaphore(%arg10 : memref<!tpu.dma_semaphore, #tpu.memory_space<semaphore_mem>>)
    %dma_start3A_30 = arith.constant 0 : i32
    %dma_start3A_31 = arith.constant 0 : i32
    %dma_start3A_32 = tpu.memref_slice %arg2[%dma_start3A_30, %dma_start3A_31] : memref<8192x512xi32, #tpu.memory_space<hbm>> -> memref<8192x512xi32, #tpu.memory_space<hbm>>
    tpu.enqueue_indirect_dma source(%dma_start3A_32 : memref<8192x512xi32, #tpu.memory_space<hbm>>) target(%arg7 : memref<64x512xi32, #tpu.memory_space<vmem>>) offsets(%arg9 : memref<64xi32, #tpu.memory_space<vmem>>) semaphore(%arg10 : memref<!tpu.dma_semaphore, #tpu.memory_space<semaphore_mem>>)
    %dma_wait3A_33 = arith.constant 0 : i32
    %dma_wait3A_34 = arith.constant 0 : i32
    %dma_wait3A_35 = tpu.memref_slice %arg2[%dma_wait3A_33, %dma_wait3A_34] : memref<8192x512xi32, #tpu.memory_space<hbm>> -> memref<8192x512xi32, #tpu.memory_space<hbm>>
    tpu.wait_indirect_dma semaphore(%arg10 : memref<!tpu.dma_semaphore, #tpu.memory_space<semaphore_mem>>) src(%dma_wait3A_35 : memref<8192x512xi32, #tpu.memory_space<hbm>>) dst(%arg6 : memref<64x512xi32, #tpu.memory_space<vmem>>)
    %dma_wait3A_36 = arith.constant 0 : i32
    %dma_wait3A_37 = arith.constant 0 : i32
    %dma_wait3A_38 = tpu.memref_slice %arg2[%dma_wait3A_36, %dma_wait3A_37] : memref<8192x512xi32, #tpu.memory_space<hbm>> -> memref<8192x512xi32, #tpu.memory_space<hbm>>
    tpu.wait_indirect_dma semaphore(%arg10 : memref<!tpu.dma_semaphore, #tpu.memory_space<semaphore_mem>>) src(%dma_wait3A_38 : memref<8192x512xi32, #tpu.memory_space<hbm>>) dst(%arg7 : memref<64x512xi32, #tpu.memory_space<vmem>>)
    %dma_start3A_39 = arith.constant 0 : i32
    %dma_start3A_40 = tpu.memref_slice %arg4[%mul3A_2, %dma_start3A_39] : memref<2048x512xi32, #tpu.memory_space<hbm>> -> memref<64x512xi32, #tpu.memory_space<hbm>>
    %dma_start3A_41 = arith.constant 0 : i32
    %dma_start3A_42 = tpu.memref_slice %arg4[%mul3A_2, %dma_start3A_41] : memref<2048x512xi32, #tpu.memory_space<hbm>> -> memref<64x512xi32, #tpu.memory_space<hbm>>
    tpu.enqueue_dma source(%arg6 : memref<64x512xi32, #tpu.memory_space<vmem>>) target(%dma_start3A_42 : memref<64x512xi32, #tpu.memory_space<hbm>>) target_semaphore(%arg10 : memref<!tpu.dma_semaphore, #tpu.memory_space<semaphore_mem>>)
    %dma_start3A_43 = arith.constant 0 : i32
    %dma_start3A_44 = tpu.memref_slice %arg5[%mul3A_2, %dma_start3A_43] : memref<2048x512xi32, #tpu.memory_space<hbm>> -> memref<64x512xi32, #tpu.memory_space<hbm>>
    %dma_start3A_45 = arith.constant 0 : i32
    %dma_start3A_46 = tpu.memref_slice %arg5[%mul3A_2, %dma_start3A_45] : memref<2048x512xi32, #tpu.memory_space<hbm>> -> memref<64x512xi32, #tpu.memory_space<hbm>>
    tpu.enqueue_dma source(%arg7 : memref<64x512xi32, #tpu.memory_space<vmem>>) target(%dma_start3A_46 : memref<64x512xi32, #tpu.memory_space<hbm>>) target_semaphore(%arg10 : memref<!tpu.dma_semaphore, #tpu.memory_space<semaphore_mem>>)
    %dma_wait3A_47 = arith.constant 0 : i32
    %dma_wait3A_48 = tpu.memref_slice %arg4[%mul3A_2, %dma_wait3A_47] : memref<2048x512xi32, #tpu.memory_space<hbm>> -> memref<64x512xi32, #tpu.memory_space<hbm>>
    %dma_wait3A_49 = arith.constant 0 : i32
    %dma_wait3A_50 = tpu.memref_slice %arg4[%mul3A_2, %dma_wait3A_49] : memref<2048x512xi32, #tpu.memory_space<hbm>> -> memref<64x512xi32, #tpu.memory_space<hbm>>
    tpu.wait_dma2 semaphore(%arg10 : memref<!tpu.dma_semaphore, #tpu.memory_space<semaphore_mem>>) src(%arg6 : memref<64x512xi32, #tpu.memory_space<vmem>>) dst(%dma_wait3A_50 : memref<64x512xi32, #tpu.memory_space<hbm>>)
    %dma_wait3A_51 = arith.constant 0 : i32
    %dma_wait3A_52 = tpu.memref_slice %arg5[%mul3A_2, %dma_wait3A_51] : memref<2048x512xi32, #tpu.memory_space<hbm>> -> memref<64x512xi32, #tpu.memory_space<hbm>>
    %dma_wait3A_53 = arith.constant 0 : i32
    %dma_wait3A_54 = tpu.memref_slice %arg5[%mul3A_2, %dma_wait3A_53] : memref<2048x512xi32, #tpu.memory_space<hbm>> -> memref<64x512xi32, #tpu.memory_space<hbm>>
    tpu.wait_dma2 semaphore(%arg10 : memref<!tpu.dma_semaphore, #tpu.memory_space<semaphore_mem>>) src(%arg7 : memref<64x512xi32, #tpu.memory_space<vmem>>) dst(%dma_wait3A_54 : memref<64x512xi32, #tpu.memory_space<hbm>>)
    return
  }
}

module attributes {stable_mosaic.version = 14 : i64} {
  func.func @_final_body(%arg0: i32, %arg1: memref<512x512xi32, #tpu.memory_space<vmem>>, %arg2: memref<512x512xi32, #tpu.memory_space<vmem>>, %arg3: memref<512x128xf32, #tpu.memory_space<vmem>>, %arg4: memref<512x128xf32, #tpu.memory_space<vmem>>, %arg5: memref<512x1024xf32, #tpu.memory_space<vmem>>) attributes {dimension_semantics = [#tpu.dimension_semantics<arbitrary>], iteration_bounds = array<i64: 4>, scalar_prefetch = 0 : i64, scratch_operands = 0 : i64, tpu.core_type = #tpu.core_type<tc>, window_params = [{transform_indices = @transform_0, window_bounds = array<i64: 512, 512>}, {transform_indices = @transform_1, window_bounds = array<i64: 512, 512>}, {transform_indices = @transform_2, window_bounds = array<i64: 512, 128>}, {transform_indices = @transform_3, window_bounds = array<i64: 512, 128>}, {transform_indices = @transform_4, window_bounds = array<i64: 512, 1024>}]} {
    %get3A = arith.constant 0 : index
    %get3A_0 = arith.constant 0 : index
    %get3A_1 = vector.load %arg1[%get3A, %get3A_0] : memref<512x512xi32, #tpu.memory_space<vmem>>, vector<512x512xi32>
    %get3A_2 = arith.constant 0 : index
    %get3A_3 = arith.constant 0 : index
    %get3A_4 = vector.load %arg2[%get3A_2, %get3A_3] : memref<512x512xi32, #tpu.memory_space<vmem>>, vector<512x512xi32>
    %get3A_5 = arith.constant 0 : index
    %get3A_6 = arith.constant 0 : index
    %get3A_7 = vector.load %arg3[%get3A_5, %get3A_6] : memref<512x128xf32, #tpu.memory_space<vmem>>, vector<512x1xf32>
    %get3A_8 = arith.constant 0 : index
    %get3A_9 = arith.constant 0 : index
    %get3A_10 = vector.load %arg4[%get3A_8, %get3A_9] : memref<512x128xf32, #tpu.memory_space<vmem>>, vector<512x1xf32>
    %shift_left3A = arith.constant 16 : i32
    %shift_left3A_11 = vector.broadcast %shift_left3A : i32 to vector<512x512xi32>
    %shift_left3A_12 = arith.shli %get3A_1, %shift_left3A_11 : vector<512x512xi32>
    %bitcast_convert_type3A = tpu.bitcast %shift_left3A_12 : vector<512x512xi32> -> vector<512x512xf32>
    %mul3A = vector.broadcast %get3A_7 : vector<512x1xf32> to vector<512x512xf32>
    %mul3A_13 = arith.mulf %mul3A, %bitcast_convert_type3A : vector<512x512xf32>
    %shift_left3A_14 = arith.constant 16 : i32
    %shift_left3A_15 = vector.broadcast %shift_left3A_14 : i32 to vector<512x512xi32>
    %shift_left3A_16 = arith.shli %get3A_4, %shift_left3A_15 : vector<512x512xi32>
    %bitcast_convert_type3A_17 = tpu.bitcast %shift_left3A_16 : vector<512x512xi32> -> vector<512x512xf32>
    %mul3A_18 = vector.broadcast %get3A_10 : vector<512x1xf32> to vector<512x512xf32>
    %mul3A_19 = arith.mulf %mul3A_18, %bitcast_convert_type3A_17 : vector<512x512xf32>
    %add3A = arith.addf %mul3A_13, %mul3A_19 : vector<512x512xf32>
    %and3A = arith.constant -65536 : i32
    %and3A_20 = vector.broadcast %and3A : i32 to vector<512x512xi32>
    %and3A_21 = arith.andi %get3A_1, %and3A_20 : vector<512x512xi32>
    %bitcast_convert_type3A_22 = tpu.bitcast %and3A_21 : vector<512x512xi32> -> vector<512x512xf32>
    %mul3A_23 = vector.broadcast %get3A_7 : vector<512x1xf32> to vector<512x512xf32>
    %mul3A_24 = arith.mulf %mul3A_23, %bitcast_convert_type3A_22 : vector<512x512xf32>
    %and3A_25 = arith.constant -65536 : i32
    %and3A_26 = vector.broadcast %and3A_25 : i32 to vector<512x512xi32>
    %and3A_27 = arith.andi %get3A_4, %and3A_26 : vector<512x512xi32>
    %bitcast_convert_type3A_28 = tpu.bitcast %and3A_27 : vector<512x512xi32> -> vector<512x512xf32>
    %mul3A_29 = vector.broadcast %get3A_10 : vector<512x1xf32> to vector<512x512xf32>
    %mul3A_30 = arith.mulf %mul3A_29, %bitcast_convert_type3A_28 : vector<512x512xf32>
    %add3A_31 = arith.addf %mul3A_24, %mul3A_30 : vector<512x512xf32>
    %concatenate3A = tpu.concatenate %add3A, %add3A_31 in 1 : vector<512x512xf32>, vector<512x512xf32> -> vector<512x1024xf32>
    %swap3A = arith.constant 0 : index
    %swap3A_32 = arith.constant 0 : index
    %swap3A_33 = vector.load %arg5[%swap3A, %swap3A_32] : memref<512x1024xf32, #tpu.memory_space<vmem>>, vector<512x1024xf32>
    tpu.vector_store %arg5[%swap3A, %swap3A_32], %concatenate3A {strides = array<i32>} : memref<512x1024xf32, #tpu.memory_space<vmem>>, vector<512x1024xf32>,
    return
  }
  func.func @transform_0(%arg0: i32) -> (i32, i32) {
    %c0_i32 = arith.constant 0 : i32
    %c0_i32_0 = arith.constant 0 : i32
    return %arg0, %c0_i32 : i32, i32
  }
  func.func @transform_1(%arg0: i32) -> (i32, i32) {
    %c0_i32 = arith.constant 0 : i32
    %c0_i32_0 = arith.constant 0 : i32
    return %arg0, %c0_i32 : i32, i32
  }
  func.func @transform_2(%arg0: i32) -> (i32, i32) {
    %c0_i32 = arith.constant 0 : i32
    %c0_i32_0 = arith.constant 0 : i32
    return %arg0, %c0_i32 : i32, i32
  }
  func.func @transform_3(%arg0: i32) -> (i32, i32) {
    %c0_i32 = arith.constant 0 : i32
    %c0_i32_0 = arith.constant 0 : i32
    return %arg0, %c0_i32 : i32, i32
  }
  func.func @transform_4(%arg0: i32) -> (i32, i32) {
    %c0_i32 = arith.constant 0 : i32
    %c0_i32_0 = arith.constant 0 : i32
    return %arg0, %c0_i32 : i32, i32
  }
}

module attributes {stable_mosaic.version = 14 : i64} {
  func.func @_gmm_body(%arg0: i32, %arg1: memref<16xi32, #tpu.memory_space<smem>>, %arg2: memref<16xi32, #tpu.memory_space<smem>>, %arg3: memref<512x512xi32, #tpu.memory_space<vmem>>, %arg4: memref<1x1024x512xf32, #tpu.memory_space<vmem>>, %arg5: memref<1x1024x512xf32, #tpu.memory_space<vmem>>, %arg6: memref<1x512x1024xf32, #tpu.memory_space<vmem>>, %arg7: memref<512x512xi32, #tpu.memory_space<vmem>>, %arg8: memref<1024x512xbf16, #tpu.memory_space<vmem>>, %arg9: memref<1024x512xbf16, #tpu.memory_space<vmem>>, %arg10: memref<512x1024xbf16, #tpu.memory_space<vmem>>) attributes {dimension_semantics = [#tpu.dimension_semantics<arbitrary>], iteration_bounds = array<i64: 16>, scalar_prefetch = 2 : i64, scratch_operands = 3 : i64, tpu.core_type = #tpu.core_type<tc>, window_params = [{transform_indices = @transform_0, window_bounds = array<i64: 512, 512>}, {transform_indices = @transform_1, window_bounds = array<i64: 1, 1024, 512>}, {transform_indices = @transform_2, window_bounds = array<i64: 1, 1024, 512>}, {transform_indices = @transform_3, window_bounds = array<i64: 1, 512, 1024>}, {transform_indices = @transform_4, window_bounds = array<i64: 512, 512>}]} {
    %eq3A = arith.constant 0 : i32
    %eq3A_0 = arith.cmpi eq, %arg0, %eq3A : i32
    %get3A = arith.index_cast %arg0 : i32 to index
    %get3A_1 = memref.load %arg1[%get3A] : memref<16xi32, #tpu.memory_space<smem>>
    %sub3A = arith.constant 1 : i32
    %sub3A_2 = arith.subi %arg0, %sub3A : i32
    %max3A = arith.constant 0 : i32
    %max3A_3 = arith.maxsi %sub3A_2, %max3A : i32
    %get3A_4 = arith.index_cast %max3A_3 : i32 to index
    %get3A_5 = memref.load %arg1[%get3A_4] : memref<16xi32, #tpu.memory_space<smem>>
    %ne3A = arith.cmpi ne, %get3A_1, %get3A_5 : i32
    %or3A = arith.ori %eq3A_0, %ne3A : i1
    %get3A_6 = arith.index_cast %arg0 : i32 to index
    %get3A_7 = memref.load %arg2[%get3A_6] : memref<16xi32, #tpu.memory_space<smem>>
    %eq3A_8 = arith.constant 1 : i32
    %eq3A_9 = arith.cmpi eq, %get3A_7, %eq3A_8 : i32
    %and3A = arith.andi %eq3A_9, %or3A : i1
    %convert_element_type3A = arith.extui %and3A : i1 to i32
    %cond3A = arith.constant 0 : i32
    %cond3A_10 = arith.cmpi ne, %convert_element_type3A, %cond3A : i32
    scf.if %cond3A_10 {
      %get3A_18 = arith.constant 0 : index
      %get3A_19 = arith.constant 0 : index
      %get3A_20 = arith.constant 0 : index
      %get3A_21 = vector.load %arg4[%get3A_18, %get3A_19, %get3A_20] : memref<1x1024x512xf32, #tpu.memory_space<vmem>>, vector<1x1024x512xf32>
      %get3A_22 = vector.shape_cast %get3A_21 : vector<1x1024x512xf32> to vector<1024x512xf32>
      %convert_element_type3A_23 = arith.truncf %get3A_22 : vector<1024x512xf32> to vector<1024x512xbf16>
      %swap3A = arith.constant 0 : index
      %swap3A_24 = arith.constant 0 : index
      %swap3A_25 = vector.load %arg8[%swap3A, %swap3A_24] : memref<1024x512xbf16, #tpu.memory_space<vmem>>, vector<1024x512xbf16>
      tpu.vector_store %arg8[%swap3A, %swap3A_24], %convert_element_type3A_23 {strides = array<i32>} : memref<1024x512xbf16, #tpu.memory_space<vmem>>, vector<1024x512xbf16>,
      %get3A_26 = arith.constant 0 : index
      %get3A_27 = arith.constant 0 : index
      %get3A_28 = arith.constant 0 : index
      %get3A_29 = vector.load %arg5[%get3A_26, %get3A_27, %get3A_28] : memref<1x1024x512xf32, #tpu.memory_space<vmem>>, vector<1x1024x512xf32>
      %get3A_30 = vector.shape_cast %get3A_29 : vector<1x1024x512xf32> to vector<1024x512xf32>
      %convert_element_type3A_31 = arith.truncf %get3A_30 : vector<1024x512xf32> to vector<1024x512xbf16>
      %swap3A_32 = arith.constant 0 : index
      %swap3A_33 = arith.constant 0 : index
      %swap3A_34 = vector.load %arg9[%swap3A_32, %swap3A_33] : memref<1024x512xbf16, #tpu.memory_space<vmem>>, vector<1024x512xbf16>
      tpu.vector_store %arg9[%swap3A_32, %swap3A_33], %convert_element_type3A_31 {strides = array<i32>} : memref<1024x512xbf16, #tpu.memory_space<vmem>>, vector<1024x512xbf16>,
      %get3A_35 = arith.constant 0 : index
      %get3A_36 = arith.constant 0 : index
      %get3A_37 = arith.constant 0 : index
      %get3A_38 = vector.load %arg6[%get3A_35, %get3A_36, %get3A_37] : memref<1x512x1024xf32, #tpu.memory_space<vmem>>, vector<1x512x1024xf32>
      %get3A_39 = vector.shape_cast %get3A_38 : vector<1x512x1024xf32> to vector<512x1024xf32>
      %convert_element_type3A_40 = arith.truncf %get3A_39 : vector<512x1024xf32> to vector<512x1024xbf16>
      %swap3A_41 = arith.constant 0 : index
      %swap3A_42 = arith.constant 0 : index
      %swap3A_43 = vector.load %arg10[%swap3A_41, %swap3A_42] : memref<512x1024xbf16, #tpu.memory_space<vmem>>, vector<512x1024xbf16>
      tpu.vector_store %arg10[%swap3A_41, %swap3A_42], %convert_element_type3A_40 {strides = array<i32>} : memref<512x1024xbf16, #tpu.memory_space<vmem>>, vector<512x1024xbf16>,
    } else {
    }
    %get3A_11 = arith.index_cast %arg0 : i32 to index
    %get3A_12 = memref.load %arg2[%get3A_11] : memref<16xi32, #tpu.memory_space<smem>>
    %eq3A_13 = arith.constant 1 : i32
    %eq3A_14 = arith.cmpi eq, %get3A_12, %eq3A_13 : i32
    %convert_element_type3A_15 = arith.extui %eq3A_14 : i1 to i32
    %cond3A_16 = arith.constant 0 : i32
    %cond3A_17 = arith.cmpi ne, %convert_element_type3A_15, %cond3A_16 : i32
    scf.if %cond3A_17 {
      %get3A_18 = arith.constant 0 : index
      %get3A_19 = arith.constant 0 : index
      %get3A_20 = vector.load %arg3[%get3A_18, %get3A_19] : memref<512x512xi32, #tpu.memory_space<vmem>>, vector<512x512xi32>
      %shift_left3A = arith.constant 16 : i32
      %shift_left3A_21 = vector.broadcast %shift_left3A : i32 to vector<512x512xi32>
      %shift_left3A_22 = arith.shli %get3A_20, %shift_left3A_21 : vector<512x512xi32>
      %bitcast_convert_type3A = tpu.bitcast %shift_left3A_22 : vector<512x512xi32> -> vector<512x512xf32>
      %convert_element_type3A_23 = arith.truncf %bitcast_convert_type3A : vector<512x512xf32> to vector<512x512xbf16>
      %and3A_24 = arith.constant -65536 : i32
      %and3A_25 = vector.broadcast %and3A_24 : i32 to vector<512x512xi32>
      %and3A_26 = arith.andi %get3A_20, %and3A_25 : vector<512x512xi32>
      %bitcast_convert_type3A_27 = tpu.bitcast %and3A_26 : vector<512x512xi32> -> vector<512x512xf32>
      %convert_element_type3A_28 = arith.truncf %bitcast_convert_type3A_27 : vector<512x512xf32> to vector<512x512xbf16>
      %concatenate3A = tpu.concatenate %convert_element_type3A_23, %convert_element_type3A_28 in 1 : vector<512x512xbf16>, vector<512x512xbf16> -> vector<512x1024xbf16>
      %get3A_29 = arith.constant 0 : index
      %get3A_30 = arith.constant 0 : index
      %get3A_31 = vector.load %arg8[%get3A_29, %get3A_30] : memref<1024x512xbf16, #tpu.memory_space<vmem>>, vector<1024x512xbf16>
      %dot_general3A = arith.constant dense<0.000000e+00> : vector<512x512xf32>
      %dot_general3A_32 = tpu.matmul %concatenate3A, %get3A_31, %dot_general3A {dimension_numbers = #tpu.dot_dimension_numbers<[1], [0], [0], [1], [0, 0, 1, 1], [], []>, transpose_lhs_hint = false} : vector<512x1024xbf16>, vector<1024x512xbf16>, vector<512x512xf32> -> vector<512x512xf32>
      %get3A_33 = arith.constant 0 : index
      %get3A_34 = arith.constant 0 : index
      %get3A_35 = vector.load %arg9[%get3A_33, %get3A_34] : memref<1024x512xbf16, #tpu.memory_space<vmem>>, vector<1024x512xbf16>
      %dot_general3A_36 = arith.constant dense<0.000000e+00> : vector<512x512xf32>
      %dot_general3A_37 = tpu.matmul %concatenate3A, %get3A_35, %dot_general3A_36 {dimension_numbers = #tpu.dot_dimension_numbers<[1], [0], [0], [1], [0, 0, 1, 1], [], []>, transpose_lhs_hint = false} : vector<512x1024xbf16>, vector<1024x512xbf16>, vector<512x512xf32> -> vector<512x512xf32>
      %logistic3A = arith.negf %dot_general3A_32 : vector<512x512xf32>
      %logistic3A_38 = math.exp %logistic3A : vector<512x512xf32>
      %logistic3A_39 = arith.constant 1.000000e+00 : f32
      %logistic3A_40 = vector.broadcast %logistic3A_39 : f32 to vector<512x512xf32>
      %logistic3A_41 = arith.addf %logistic3A_40, %logistic3A_38 : vector<512x512xf32>
      %logistic3A_42 = arith.divf %logistic3A_40, %logistic3A_41 : vector<512x512xf32>
      %mul3A = arith.mulf %dot_general3A_32, %logistic3A_42 : vector<512x512xf32>
      %mul3A_43 = arith.mulf %mul3A, %dot_general3A_37 : vector<512x512xf32>
      %convert_element_type3A_44 = arith.truncf %mul3A_43 : vector<512x512xf32> to vector<512x512xbf16>
      %get3A_45 = arith.constant 0 : index
      %get3A_46 = arith.constant 0 : index
      %get3A_47 = vector.load %arg10[%get3A_45, %get3A_46] : memref<512x1024xbf16, #tpu.memory_space<vmem>>, vector<512x1024xbf16>
      %dot_general3A_48 = arith.constant dense<0.000000e+00> : vector<512x1024xf32>
      %dot_general3A_49 = tpu.matmul %convert_element_type3A_44, %get3A_47, %dot_general3A_48 {dimension_numbers = #tpu.dot_dimension_numbers<[1], [0], [0], [1], [0, 0, 1, 1], [], []>, transpose_lhs_hint = false} : vector<512x512xbf16>, vector<512x1024xbf16>, vector<512x1024xf32> -> vector<512x1024xf32>
      %bitcast_convert_type3A_50 = tpu.bitcast %dot_general3A_49 : vector<512x1024xf32> -> vector<512x1024xi32>
      %shift_right_logical3A = arith.constant 16 : i32
      %shift_right_logical3A_51 = vector.broadcast %shift_right_logical3A : i32 to vector<512x1024xi32>
      %shift_right_logical3A_52 = arith.shrui %bitcast_convert_type3A_50, %shift_right_logical3A_51 : vector<512x1024xi32>
      %and3A_53 = arith.constant 1 : i32
      %and3A_54 = vector.broadcast %and3A_53 : i32 to vector<512x1024xi32>
      %and3A_55 = arith.andi %shift_right_logical3A_52, %and3A_54 : vector<512x1024xi32>
      %add3A = arith.constant 32767 : i32
      %add3A_56 = vector.broadcast %add3A : i32 to vector<512x1024xi32>
      %add3A_57 = arith.addi %and3A_55, %add3A_56 : vector<512x1024xi32>
      %add3A_58 = arith.addi %bitcast_convert_type3A_50, %add3A_57 : vector<512x1024xi32>
      %slice3A = vector.extract_strided_slice %add3A_58 {offsets = [0, 0], sizes = [512, 512], strides = [1, 1]} : vector<512x1024xi32> to vector<512x512xi32>
      %shift_right_logical3A_59 = arith.constant 16 : i32
      %shift_right_logical3A_60 = vector.broadcast %shift_right_logical3A_59 : i32 to vector<512x512xi32>
      %shift_right_logical3A_61 = arith.shrui %slice3A, %shift_right_logical3A_60 : vector<512x512xi32>
      %slice3A_62 = vector.extract_strided_slice %add3A_58 {offsets = [0, 512], sizes = [512, 512], strides = [1, 1]} : vector<512x1024xi32> to vector<512x512xi32>
      %and3A_63 = arith.constant -65536 : i32
      %and3A_64 = vector.broadcast %and3A_63 : i32 to vector<512x512xi32>
      %and3A_65 = arith.andi %slice3A_62, %and3A_64 : vector<512x512xi32>
      %or3A_66 = arith.ori %shift_right_logical3A_61, %and3A_65 : vector<512x512xi32>
      %swap3A = arith.constant 0 : index
      %swap3A_67 = arith.constant 0 : index
      %swap3A_68 = vector.load %arg7[%swap3A, %swap3A_67] : memref<512x512xi32, #tpu.memory_space<vmem>>, vector<512x512xi32>
      tpu.vector_store %arg7[%swap3A, %swap3A_67], %or3A_66 {strides = array<i32>} : memref<512x512xi32, #tpu.memory_space<vmem>>, vector<512x512xi32>,
    } else {
    }
    return
  }
  func.func @transform_0(%arg0: i32, %arg1: memref<16xi32, #tpu.memory_space<smem>>, %arg2: memref<16xi32, #tpu.memory_space<smem>>) -> (i32, i32) {
    %get3A = arith.index_cast %arg0 : i32 to index
    %get3A_0 = memref.load %arg2[%get3A] : memref<16xi32, #tpu.memory_space<smem>>
    %eq3A = arith.constant 1 : i32
    %eq3A_1 = arith.cmpi eq, %get3A_0, %eq3A : i32
    %jit3A = arith.constant 0 : i32
    %select_n3A = arith.select %eq3A_1, %arg0, %jit3A : i32
    %c0_i32 = arith.constant 0 : i32
    %c0_i32_2 = arith.constant 0 : i32
    return %select_n3A, %c0_i32 : i32, i32
  }
  func.func @transform_1(%arg0: i32, %arg1: memref<16xi32, #tpu.memory_space<smem>>, %arg2: memref<16xi32, #tpu.memory_space<smem>>) -> (i32, i32, i32) {
    %get3A = arith.index_cast %arg0 : i32 to index
    %get3A_0 = memref.load %arg1[%get3A] : memref<16xi32, #tpu.memory_space<smem>>
    %c0_i32 = arith.constant 0 : i32
    %c0_i32_1 = arith.constant 0 : i32
    %c0_i32_2 = arith.constant 0 : i32
    return %get3A_0, %c0_i32, %c0_i32_1 : i32, i32, i32
  }
  func.func @transform_2(%arg0: i32, %arg1: memref<16xi32, #tpu.memory_space<smem>>, %arg2: memref<16xi32, #tpu.memory_space<smem>>) -> (i32, i32, i32) {
    %get3A = arith.index_cast %arg0 : i32 to index
    %get3A_0 = memref.load %arg1[%get3A] : memref<16xi32, #tpu.memory_space<smem>>
    %c0_i32 = arith.constant 0 : i32
    %c0_i32_1 = arith.constant 0 : i32
    %c0_i32_2 = arith.constant 0 : i32
    return %get3A_0, %c0_i32, %c0_i32_1 : i32, i32, i32
  }
  func.func @transform_3(%arg0: i32, %arg1: memref<16xi32, #tpu.memory_space<smem>>, %arg2: memref<16xi32, #tpu.memory_space<smem>>) -> (i32, i32, i32) {
    %get3A = arith.index_cast %arg0 : i32 to index
    %get3A_0 = memref.load %arg1[%get3A] : memref<16xi32, #tpu.memory_space<smem>>
    %c0_i32 = arith.constant 0 : i32
    %c0_i32_1 = arith.constant 0 : i32
    %c0_i32_2 = arith.constant 0 : i32
    return %get3A_0, %c0_i32, %c0_i32_1 : i32, i32, i32
  }
  func.func @transform_4(%arg0: i32, %arg1: memref<16xi32, #tpu.memory_space<smem>>, %arg2: memref<16xi32, #tpu.memory_space<smem>>) -> (i32, i32) {
    %c0_i32 = arith.constant 0 : i32
    %c0_i32_0 = arith.constant 0 : i32
    return %arg0, %c0_i32 : i32, i32
  }
}

module attributes {stable_mosaic.version = 14 : i64} {
  func.func @_routing_body(%arg0: memref<2048x1024xf32, #tpu.memory_space<vmem>>, %arg1: memref<8x1024xf32, #tpu.memory_space<vmem>>, %arg2: memref<1x8xf32, #tpu.memory_space<vmem>>, %arg3: memref<64x128xi32, #tpu.memory_space<vmem>>, %arg4: memref<2048x128xf32, #tpu.memory_space<vmem>>, %arg5: memref<2048x128xf32, #tpu.memory_space<vmem>>, %arg6: memref<32x128xi32, #tpu.memory_space<vmem>>, %arg7: memref<32x128xi32, #tpu.memory_space<vmem>>, %arg8: memref<2048x512xi32, #tpu.memory_space<vmem>>, %arg9: memref<2048x128xf32, #tpu.memory_space<vmem>>, %arg10: memref<2048x128xf32, #tpu.memory_space<vmem>>) attributes {dimension_semantics = [], scalar_prefetch = 0 : i64, scratch_operands = 2 : i64, tpu.core_type = #tpu.core_type<tc>} {
    %get3A = arith.constant 0 : index
    %get3A_0 = arith.constant 0 : index
    %get3A_1 = vector.load %arg0[%get3A, %get3A_0] : memref<2048x1024xf32, #tpu.memory_space<vmem>>, vector<2048x1024xf32>
    %bitcast_convert_type3A = tpu.bitcast %get3A_1 : vector<2048x1024xf32> -> vector<2048x1024xi32>
    %shift_right_logical3A = arith.constant 16 : i32
    %shift_right_logical3A_2 = vector.broadcast %shift_right_logical3A : i32 to vector<2048x1024xi32>
    %shift_right_logical3A_3 = arith.shrui %bitcast_convert_type3A, %shift_right_logical3A_2 : vector<2048x1024xi32>
    %and3A = arith.constant 1 : i32
    %and3A_4 = vector.broadcast %and3A : i32 to vector<2048x1024xi32>
    %and3A_5 = arith.andi %shift_right_logical3A_3, %and3A_4 : vector<2048x1024xi32>
    %add3A = arith.constant 32767 : i32
    %add3A_6 = vector.broadcast %add3A : i32 to vector<2048x1024xi32>
    %add3A_7 = arith.addi %and3A_5, %add3A_6 : vector<2048x1024xi32>
    %add3A_8 = arith.addi %bitcast_convert_type3A, %add3A_7 : vector<2048x1024xi32>
    %slice3A = vector.extract_strided_slice %add3A_8 {offsets = [0, 0], sizes = [2048, 512], strides = [1, 1]} : vector<2048x1024xi32> to vector<2048x512xi32>
    %shift_right_logical3A_9 = arith.constant 16 : i32
    %shift_right_logical3A_10 = vector.broadcast %shift_right_logical3A_9 : i32 to vector<2048x512xi32>
    %shift_right_logical3A_11 = arith.shrui %slice3A, %shift_right_logical3A_10 : vector<2048x512xi32>
    %slice3A_12 = vector.extract_strided_slice %add3A_8 {offsets = [0, 512], sizes = [2048, 512], strides = [1, 1]} : vector<2048x1024xi32> to vector<2048x512xi32>
    %and3A_13 = arith.constant -65536 : i32
    %and3A_14 = vector.broadcast %and3A_13 : i32 to vector<2048x512xi32>
    %and3A_15 = arith.andi %slice3A_12, %and3A_14 : vector<2048x512xi32>
    %or3A = arith.ori %shift_right_logical3A_11, %and3A_15 : vector<2048x512xi32>
    %swap3A = arith.constant 0 : index
    %swap3A_16 = arith.constant 0 : index
    %swap3A_17 = vector.load %arg8[%swap3A, %swap3A_16] : memref<2048x512xi32, #tpu.memory_space<vmem>>, vector<2048x512xi32>
    tpu.vector_store %arg8[%swap3A, %swap3A_16], %or3A {strides = array<i32>} : memref<2048x512xi32, #tpu.memory_space<vmem>>, vector<2048x512xi32>,
    %get3A_18 = arith.constant 0 : index
    %get3A_19 = arith.constant 0 : index
    %get3A_20 = vector.load %arg1[%get3A_18, %get3A_19] : memref<8x1024xf32, #tpu.memory_space<vmem>>, vector<8x1024xf32>
    %dot_general3A = arith.constant dense<0.000000e+00> : vector<2048x8xf32>
    %dot_general3A_21 = tpu.matmul %get3A_1, %get3A_20, %dot_general3A {dimension_numbers = #tpu.dot_dimension_numbers<[1], [1], [0], [0], [0, 0, 1, 0], [], []>, transpose_lhs_hint = false} : vector<2048x1024xf32>, vector<8x1024xf32>, vector<2048x8xf32> -> vector<2048x8xf32>
    %logistic3A = arith.negf %dot_general3A_21 : vector<2048x8xf32>
    %logistic3A_22 = math.exp %logistic3A : vector<2048x8xf32>
    %logistic3A_23 = arith.constant 1.000000e+00 : f32
    %logistic3A_24 = vector.broadcast %logistic3A_23 : f32 to vector<2048x8xf32>
    %logistic3A_25 = arith.addf %logistic3A_24, %logistic3A_22 : vector<2048x8xf32>
    %logistic3A_26 = arith.divf %logistic3A_24, %logistic3A_25 : vector<2048x8xf32>
    %iota3A = tpu.iota {dimensions = array<i32: 1>} : vector<2048x128xi32>
    %broadcast_in_dim3A = arith.constant 0.000000e+00 : f32
    %broadcast_in_dim3A_27 = vector.broadcast %broadcast_in_dim3A : f32 to vector<2048x120xf32>
    %concatenate3A = tpu.concatenate %logistic3A_26, %broadcast_in_dim3A_27 in 1 : vector<2048x8xf32>, vector<2048x120xf32> -> vector<2048x128xf32>
    %get3A_28 = arith.constant 0 : index
    %get3A_29 = arith.constant 0 : index
    %get3A_30 = vector.load %arg2[%get3A_28, %get3A_29] : memref<1x8xf32, #tpu.memory_space<vmem>>, vector<1x8xf32>
    %add3A_31 = vector.broadcast %get3A_30 : vector<1x8xf32> to vector<2048x8xf32>
    %add3A_32 = arith.addf %logistic3A_26, %add3A_31 : vector<2048x8xf32>
    %broadcast_in_dim3A_33 = arith.constant -1.000000e+30 : f32
    %broadcast_in_dim3A_34 = vector.broadcast %broadcast_in_dim3A_33 : f32 to vector<2048x120xf32>
    %concatenate3A_35 = tpu.concatenate %add3A_32, %broadcast_in_dim3A_34 in 1 : vector<2048x8xf32>, vector<2048x120xf32> -> vector<2048x128xf32>
    %reduce_max3A = arith.constant dense<0xFF800000> : vector<2048xf32>
    %reduce_max3A_36 = vector.multi_reduction <maximumf>, %concatenate3A_35, %reduce_max3A [1] : vector<2048x128xf32> to vector<2048xf32>
    %broadcast_in_dim3A_37 = vector.shape_cast %reduce_max3A_36 : vector<2048xf32> to vector<2048x1xf32>
    %ge3A = vector.broadcast %broadcast_in_dim3A_37 : vector<2048x1xf32> to vector<2048x128xf32>
    %ge3A_38 = arith.cmpf oge, %concatenate3A_35, %ge3A : vector<2048x128xf32>
    %jit3A = arith.constant 128 : i32
    %broadcast_in_dim3A_39 = vector.broadcast %jit3A : i32 to vector<2048x128xi32>
    %select_n3A = arith.select %ge3A_38, %iota3A, %broadcast_in_dim3A_39 : vector<2048x128xi1>, vector<2048x128xi32>
    %reduce_min3A = arith.constant dense<2147483647> : vector<2048xi32>
    %reduce_min3A_40 = vector.multi_reduction <minsi>, %select_n3A, %reduce_min3A [1] : vector<2048x128xi32> to vector<2048xi32>
    %broadcast_in_dim3A_41 = vector.shape_cast %reduce_min3A_40 : vector<2048xi32> to vector<2048x1xi32>
    %eq3A = vector.broadcast %broadcast_in_dim3A_41 : vector<2048x1xi32> to vector<2048x128xi32>
    %eq3A_42 = arith.cmpi eq, %iota3A, %eq3A : vector<2048x128xi32>
    %jit3A_43 = arith.constant 0.000000e+00 : f32
    %broadcast_in_dim3A_44 = vector.broadcast %jit3A_43 : f32 to vector<2048x128xf32>
    %select_n3A_45 = arith.select %eq3A_42, %concatenate3A, %broadcast_in_dim3A_44 : vector<2048x128xi1>, vector<2048x128xf32>
    %reduce_sum3A = arith.constant dense<0.000000e+00> : vector<2048xf32>
    %reduce_sum3A_46 = vector.multi_reduction <add>, %select_n3A_45, %reduce_sum3A [1] : vector<2048x128xf32> to vector<2048xf32>
    %broadcast_in_dim3A_47 = vector.shape_cast %reduce_sum3A_46 : vector<2048xf32> to vector<2048x1xf32>
    %jit3A_48 = arith.constant -1.000000e+30 : f32
    %broadcast_in_dim3A_49 = vector.broadcast %jit3A_48 : f32 to vector<2048x128xf32>
    %select_n3A_50 = arith.select %eq3A_42, %broadcast_in_dim3A_49, %concatenate3A_35 : vector<2048x128xi1>, vector<2048x128xf32>
    %reduce_max3A_51 = arith.constant dense<0xFF800000> : vector<2048xf32>
    %reduce_max3A_52 = vector.multi_reduction <maximumf>, %select_n3A_50, %reduce_max3A_51 [1] : vector<2048x128xf32> to vector<2048xf32>
    %broadcast_in_dim3A_53 = vector.shape_cast %reduce_max3A_52 : vector<2048xf32> to vector<2048x1xf32>
    %ge3A_54 = vector.broadcast %broadcast_in_dim3A_53 : vector<2048x1xf32> to vector<2048x128xf32>
    %ge3A_55 = arith.cmpf oge, %select_n3A_50, %ge3A_54 : vector<2048x128xf32>
    %jit3A_56 = arith.constant 128 : i32
    %broadcast_in_dim3A_57 = vector.broadcast %jit3A_56 : i32 to vector<2048x128xi32>
    %select_n3A_58 = arith.select %ge3A_55, %iota3A, %broadcast_in_dim3A_57 : vector<2048x128xi1>, vector<2048x128xi32>
    %reduce_min3A_59 = arith.constant dense<2147483647> : vector<2048xi32>
    %reduce_min3A_60 = vector.multi_reduction <minsi>, %select_n3A_58, %reduce_min3A_59 [1] : vector<2048x128xi32> to vector<2048xi32>
    %broadcast_in_dim3A_61 = vector.shape_cast %reduce_min3A_60 : vector<2048xi32> to vector<2048x1xi32>
    %eq3A_62 = vector.broadcast %broadcast_in_dim3A_61 : vector<2048x1xi32> to vector<2048x128xi32>
    %eq3A_63 = arith.cmpi eq, %iota3A, %eq3A_62 : vector<2048x128xi32>
    %jit3A_64 = arith.constant 0.000000e+00 : f32
    %broadcast_in_dim3A_65 = vector.broadcast %jit3A_64 : f32 to vector<2048x128xf32>
    %select_n3A_66 = arith.select %eq3A_63, %concatenate3A, %broadcast_in_dim3A_65 : vector<2048x128xi1>, vector<2048x128xf32>
    %reduce_sum3A_67 = arith.constant dense<0.000000e+00> : vector<2048xf32>
    %reduce_sum3A_68 = vector.multi_reduction <add>, %select_n3A_66, %reduce_sum3A_67 [1] : vector<2048x128xf32> to vector<2048xf32>
    %broadcast_in_dim3A_69 = vector.shape_cast %reduce_sum3A_68 : vector<2048xf32> to vector<2048x1xf32>
    %add3A_70 = arith.addf %broadcast_in_dim3A_47, %broadcast_in_dim3A_69 : vector<2048x1xf32>
    %add3A_71 = arith.constant 9.99999968E-21 : f32
    %add3A_72 = vector.broadcast %add3A_71 : f32 to vector<2048x1xf32>
    %add3A_73 = arith.addf %add3A_70, %add3A_72 : vector<2048x1xf32>
    %div3A = arith.divf %broadcast_in_dim3A_47, %add3A_73 : vector<2048x1xf32>
    %mul3A = arith.constant 1.000000e+00 : f32
    %mul3A_74 = vector.broadcast %mul3A : f32 to vector<2048x1xf32>
    %mul3A_75 = arith.mulf %div3A, %mul3A_74 : vector<2048x1xf32>
    %div3A_76 = arith.divf %broadcast_in_dim3A_69, %add3A_73 : vector<2048x1xf32>
    %mul3A_77 = arith.constant 1.000000e+00 : f32
    %mul3A_78 = vector.broadcast %mul3A_77 : f32 to vector<2048x1xf32>
    %mul3A_79 = arith.mulf %div3A_76, %mul3A_78 : vector<2048x1xf32>
    %broadcast_in_dim3A_80 = vector.shape_cast %mul3A_75 : vector<2048x1xf32> to vector<2048x1xf32>
    %broadcast_in_dim3A_81 = vector.broadcast %broadcast_in_dim3A_80 : vector<2048x1xf32> to vector<2048x128xf32>
    %swap3A_82 = arith.constant 0 : index
    %swap3A_83 = arith.constant 0 : index
    %swap3A_84 = vector.load %arg4[%swap3A_82, %swap3A_83] : memref<2048x128xf32, #tpu.memory_space<vmem>>, vector<2048x128xf32>
    tpu.vector_store %arg4[%swap3A_82, %swap3A_83], %broadcast_in_dim3A_81 {strides = array<i32>} : memref<2048x128xf32, #tpu.memory_space<vmem>>, vector<2048x128xf32>,
    %broadcast_in_dim3A_85 = vector.shape_cast %mul3A_79 : vector<2048x1xf32> to vector<2048x1xf32>
    %broadcast_in_dim3A_86 = vector.broadcast %broadcast_in_dim3A_85 : vector<2048x1xf32> to vector<2048x128xf32>
    %swap3A_87 = arith.constant 0 : index
    %swap3A_88 = arith.constant 0 : index
    %swap3A_89 = vector.load %arg5[%swap3A_87, %swap3A_88] : memref<2048x128xf32, #tpu.memory_space<vmem>>, vector<2048x128xf32>
    tpu.vector_store %arg5[%swap3A_87, %swap3A_88], %broadcast_in_dim3A_86 {strides = array<i32>} : memref<2048x128xf32, #tpu.memory_space<vmem>>, vector<2048x128xf32>,
    %convert_element_type3A = arith.extui %eq3A_42 : vector<2048x128xi1> to vector<2048x128xi32>
    %convert_element_type3A_90 = arith.sitofp %convert_element_type3A : vector<2048x128xi32> to vector<2048x128xf32>
    %convert_element_type3A_91 = arith.extui %eq3A_63 : vector<2048x128xi1> to vector<2048x128xi32>
    %convert_element_type3A_92 = arith.sitofp %convert_element_type3A_91 : vector<2048x128xi32> to vector<2048x128xf32>
    %swap3A_93 = arith.constant 0 : index
    %swap3A_94 = arith.constant 0 : index
    %swap3A_95 = vector.load %arg9[%swap3A_93, %swap3A_94] : memref<2048x128xf32, #tpu.memory_space<vmem>>, vector<2048x128xf32>
    tpu.vector_store %arg9[%swap3A_93, %swap3A_94], %convert_element_type3A_90 {strides = array<i32>} : memref<2048x128xf32, #tpu.memory_space<vmem>>, vector<2048x128xf32>,
    %swap3A_96 = arith.constant 0 : index
    %swap3A_97 = arith.constant 0 : index
    %swap3A_98 = vector.load %arg10[%swap3A_96, %swap3A_97] : memref<2048x128xf32, #tpu.memory_space<vmem>>, vector<2048x128xf32>
    tpu.vector_store %arg10[%swap3A_96, %swap3A_97], %convert_element_type3A_92 {strides = array<i32>} : memref<2048x128xf32, #tpu.memory_space<vmem>>, vector<2048x128xf32>,
    %iota3A_99 = tpu.iota {dimensions = array<i32: 0>} : vector<256x256xi32>
    %iota3A_100 = tpu.iota {dimensions = array<i32: 1>} : vector<256x256xi32>
    %gt3A = arith.cmpi sgt, %iota3A_99, %iota3A_100 : vector<256x256xi32>
    %convert_element_type3A_101 = arith.extui %gt3A : vector<256x256xi1> to vector<256x256xi32>
    %convert_element_type3A_102 = arith.sitofp %convert_element_type3A_101 : vector<256x256xi32> to vector<256x256xf32>
    %broadcast_in_dim3A_103 = arith.constant 0.000000e+00 : f32
    %broadcast_in_dim3A_104 = vector.broadcast %broadcast_in_dim3A_103 : f32 to vector<1x128xf32>
    %scan3A = arith.constant 0 : i32
    %scan3A_105 = arith.constant 8 : i32
    %scan3A_106 = arith.addi %scan3A, %scan3A_105 : i32
    %scan3A_107 = arith.constant 1 : i32
    %scan3A_108:2 = scf.for %scan3A_241 = %scan3A to %scan3A_106 step %scan3A_107 iter_args(%scan3A_242 = %broadcast_in_dim3A_104, %scan3A_243 = %broadcast_in_dim3A_104) -> (vector<1x128xf32>, vector<1x128xf32>)  : i32 {
      %mul3A_244 = arith.constant 256 : i32
      %mul3A_245 = arith.muli %scan3A_241, %mul3A_244 : i32
      %get3A_246 = arith.index_cast %mul3A_245 : i32 to index
      %get3A_247 = arith.constant 0 : index
      %get3A_248 = vector.load %arg9[%get3A_246, %get3A_247] : memref<2048x128xf32, #tpu.memory_space<vmem>>, vector<256x128xf32>
      %get3A_249 = arith.index_cast %mul3A_245 : i32 to index
      %get3A_250 = arith.constant 0 : index
      %get3A_251 = vector.load %arg10[%get3A_249, %get3A_250] : memref<2048x128xf32, #tpu.memory_space<vmem>>, vector<256x128xf32>
      %dot_general3A_252 = arith.constant dense<0.000000e+00> : vector<256x128xf32>
      %dot_general3A_253 = tpu.matmul %convert_element_type3A_102, %get3A_248, %dot_general3A_252 {dimension_numbers = #tpu.dot_dimension_numbers<[1], [0], [0], [1], [0, 0, 1, 1], [], []>, transpose_lhs_hint = false} : vector<256x256xf32>, vector<256x128xf32>, vector<256x128xf32> -> vector<256x128xf32>
      %add3A_254 = vector.broadcast %scan3A_242 : vector<1x128xf32> to vector<256x128xf32>
      %add3A_255 = arith.addf %dot_general3A_253, %add3A_254 : vector<256x128xf32>
      %swap3A_256 = arith.index_cast %mul3A_245 : i32 to index
      %swap3A_257 = arith.constant 0 : index
      %swap3A_258 = vector.load %arg9[%swap3A_256, %swap3A_257] : memref<2048x128xf32, #tpu.memory_space<vmem>>, vector<256x128xf32>
      tpu.vector_store %arg9[%swap3A_256, %swap3A_257], %add3A_255 {strides = array<i32>} : memref<2048x128xf32, #tpu.memory_space<vmem>>, vector<256x128xf32>,
      %dot_general3A_259 = arith.constant dense<0.000000e+00> : vector<256x128xf32>
      %dot_general3A_260 = tpu.matmul %convert_element_type3A_102, %get3A_251, %dot_general3A_259 {dimension_numbers = #tpu.dot_dimension_numbers<[1], [0], [0], [1], [0, 0, 1, 1], [], []>, transpose_lhs_hint = false} : vector<256x256xf32>, vector<256x128xf32>, vector<256x128xf32> -> vector<256x128xf32>
      %add3A_261 = vector.broadcast %scan3A_243 : vector<1x128xf32> to vector<256x128xf32>
      %add3A_262 = arith.addf %dot_general3A_260, %add3A_261 : vector<256x128xf32>
      %swap3A_263 = arith.index_cast %mul3A_245 : i32 to index
      %swap3A_264 = arith.constant 0 : index
      %swap3A_265 = vector.load %arg10[%swap3A_263, %swap3A_264] : memref<2048x128xf32, #tpu.memory_space<vmem>>, vector<256x128xf32>
      tpu.vector_store %arg10[%swap3A_263, %swap3A_264], %add3A_262 {strides = array<i32>} : memref<2048x128xf32, #tpu.memory_space<vmem>>, vector<256x128xf32>,
      %reduce_sum3A_266 = arith.constant dense<0.000000e+00> : vector<128xf32>
      %reduce_sum3A_267 = vector.multi_reduction <add>, %get3A_248, %reduce_sum3A_266 [0] : vector<256x128xf32> to vector<128xf32>
      %broadcast_in_dim3A_268 = vector.shape_cast %reduce_sum3A_267 : vector<128xf32> to vector<1x128xf32>
      %add3A_269 = arith.addf %scan3A_242, %broadcast_in_dim3A_268 : vector<1x128xf32>
      %reduce_sum3A_270 = arith.constant dense<0.000000e+00> : vector<128xf32>
      %reduce_sum3A_271 = vector.multi_reduction <add>, %get3A_251, %reduce_sum3A_270 [0] : vector<256x128xf32> to vector<128xf32>
      %broadcast_in_dim3A_272 = vector.shape_cast %reduce_sum3A_271 : vector<128xf32> to vector<1x128xf32>
      %add3A_273 = arith.addf %scan3A_243, %broadcast_in_dim3A_272 : vector<1x128xf32>
      scf.yield %add3A_269, %add3A_273 : vector<1x128xf32>, vector<1x128xf32>
    }
    %scan3A_109 = arith.constant 8 : i32
    %add3A_110 = arith.addf %scan3A_108#0, %scan3A_108#1 : vector<1x128xf32>
    %convert_element_type3A_111 = arith.fptosi %add3A_110 : vector<1x128xf32> to vector<1x128xi32>
    %add3A_112 = arith.constant 511 : i32
    %add3A_113 = vector.broadcast %add3A_112 : i32 to vector<1x128xi32>
    %add3A_114 = arith.addi %convert_element_type3A_111, %add3A_113 : vector<1x128xi32>
    %shift_right_logical3A_115 = arith.constant 9 : i32
    %shift_right_logical3A_116 = vector.broadcast %shift_right_logical3A_115 : i32 to vector<1x128xi32>
    %shift_right_logical3A_117 = arith.shrui %add3A_114, %shift_right_logical3A_116 : vector<1x128xi32>
    %shift_left3A = arith.constant 9 : i32
    %shift_left3A_118 = vector.broadcast %shift_left3A : i32 to vector<1x128xi32>
    %shift_left3A_119 = arith.shli %shift_right_logical3A_117, %shift_left3A_118 : vector<1x128xi32>
    %iota3A_120 = tpu.iota {dimensions = array<i32: 0>} : vector<128x128xi32>
    %iota3A_121 = tpu.iota {dimensions = array<i32: 1>} : vector<128x128xi32>
    %lt3A = arith.cmpi slt, %iota3A_120, %iota3A_121 : vector<128x128xi32>
    %convert_element_type3A_122 = arith.extui %lt3A : vector<128x128xi1> to vector<128x128xi32>
    %convert_element_type3A_123 = arith.sitofp %convert_element_type3A_122 : vector<128x128xi32> to vector<128x128xf32>
    %convert_element_type3A_124 = arith.sitofp %shift_left3A_119 : vector<1x128xi32> to vector<1x128xf32>
    %dot_general3A_125 = arith.constant dense<0.000000e+00> : vector<1x128xf32>
    %dot_general3A_126 = tpu.matmul %convert_element_type3A_124, %convert_element_type3A_123, %dot_general3A_125 {dimension_numbers = #tpu.dot_dimension_numbers<[1], [0], [0], [1], [0, 0, 1, 1], [], []>, transpose_lhs_hint = false} : vector<1x128xf32>, vector<128x128xf32>, vector<1x128xf32> -> vector<1x128xf32>
    %get3A_127 = arith.constant 0 : index
    %get3A_128 = arith.constant 0 : index
    %get3A_129 = vector.load %arg9[%get3A_127, %get3A_128] : memref<2048x128xf32, #tpu.memory_space<vmem>>, vector<2048x128xf32>
    %get3A_130 = arith.constant 0 : index
    %get3A_131 = arith.constant 0 : index
    %get3A_132 = vector.load %arg10[%get3A_130, %get3A_131] : memref<2048x128xf32, #tpu.memory_space<vmem>>, vector<2048x128xf32>
    %add3A_133 = vector.broadcast %dot_general3A_126 : vector<1x128xf32> to vector<2048x128xf32>
    %add3A_134 = arith.addf %add3A_133, %get3A_129 : vector<2048x128xf32>
    %mul3A_135 = arith.mulf %add3A_134, %convert_element_type3A_90 : vector<2048x128xf32>
    %reduce_sum3A_136 = arith.constant dense<0.000000e+00> : vector<2048xf32>
    %reduce_sum3A_137 = vector.multi_reduction <add>, %mul3A_135, %reduce_sum3A_136 [1] : vector<2048x128xf32> to vector<2048xf32>
    %broadcast_in_dim3A_138 = vector.shape_cast %reduce_sum3A_137 : vector<2048xf32> to vector<2048x1xf32>
    %add3A_139 = arith.addf %dot_general3A_126, %scan3A_108#0 : vector<1x128xf32>
    %add3A_140 = vector.broadcast %add3A_139 : vector<1x128xf32> to vector<2048x128xf32>
    %add3A_141 = arith.addf %add3A_140, %get3A_132 : vector<2048x128xf32>
    %mul3A_142 = arith.mulf %add3A_141, %convert_element_type3A_92 : vector<2048x128xf32>
    %reduce_sum3A_143 = arith.constant dense<0.000000e+00> : vector<2048xf32>
    %reduce_sum3A_144 = vector.multi_reduction <add>, %mul3A_142, %reduce_sum3A_143 [1] : vector<2048x128xf32> to vector<2048xf32>
    %broadcast_in_dim3A_145 = vector.shape_cast %reduce_sum3A_144 : vector<2048xf32> to vector<2048x1xf32>
    %iota3A_146 = tpu.iota {dimensions = array<i32: 0>} : vector<2048x128xi32>
    %and3A_147 = arith.constant 63 : i32
    %and3A_148 = vector.broadcast %and3A_147 : i32 to vector<2048x128xi32>
    %and3A_149 = arith.andi %iota3A_146, %and3A_148 : vector<2048x128xi32>
    %eq3A_150 = arith.cmpi eq, %iota3A, %and3A_149 : vector<2048x128xi32>
    %convert_element_type3A_151 = arith.extui %eq3A_150 : vector<2048x128xi1> to vector<2048x128xi32>
    %convert_element_type3A_152 = arith.sitofp %convert_element_type3A_151 : vector<2048x128xi32> to vector<2048x128xf32>
    %iota3A_153 = tpu.iota {dimensions = array<i32: 0>} : vector<32x2048xi32>
    %iota3A_154 = tpu.iota {dimensions = array<i32: 1>} : vector<32x2048xi32>
    %shift_right_logical3A_155 = arith.constant 6 : i32
    %shift_right_logical3A_156 = vector.broadcast %shift_right_logical3A_155 : i32 to vector<32x2048xi32>
    %shift_right_logical3A_157 = arith.shrui %iota3A_154, %shift_right_logical3A_156 : vector<32x2048xi32>
    %eq3A_158 = arith.cmpi eq, %iota3A_153, %shift_right_logical3A_157 : vector<32x2048xi32>
    %convert_element_type3A_159 = arith.extui %eq3A_158 : vector<32x2048xi1> to vector<32x2048xi32>
    %convert_element_type3A_160 = arith.sitofp %convert_element_type3A_159 : vector<32x2048xi32> to vector<32x2048xf32>
    %mul3A_161 = arith.constant 3.125000e-02 : f32
    %mul3A_162 = vector.broadcast %mul3A_161 : f32 to vector<2048x1xf32>
    %mul3A_163 = arith.mulf %broadcast_in_dim3A_138, %mul3A_162 : vector<2048x1xf32>
    %floor3A = math.floor %mul3A_163 : vector<2048x1xf32>
    %mul3A_164 = arith.constant 3.200000e+01 : f32
    %mul3A_165 = vector.broadcast %mul3A_164 : f32 to vector<2048x1xf32>
    %mul3A_166 = arith.mulf %mul3A_165, %floor3A : vector<2048x1xf32>
    %sub3A = arith.subf %broadcast_in_dim3A_138, %mul3A_166 : vector<2048x1xf32>
    %mul3A_167 = vector.broadcast %floor3A : vector<2048x1xf32> to vector<2048x128xf32>
    %mul3A_168 = arith.mulf %mul3A_167, %convert_element_type3A_152 : vector<2048x128xf32>
    %dot_general3A_169 = arith.constant dense<0.000000e+00> : vector<32x128xf32>
    %dot_general3A_170 = tpu.matmul %convert_element_type3A_160, %mul3A_168, %dot_general3A_169 {dimension_numbers = #tpu.dot_dimension_numbers<[1], [0], [0], [1], [0, 0, 1, 1], [], []>, transpose_lhs_hint = false} : vector<32x2048xf32>, vector<2048x128xf32>, vector<32x128xf32> -> vector<32x128xf32>
    %mul3A_171 = vector.broadcast %sub3A : vector<2048x1xf32> to vector<2048x128xf32>
    %mul3A_172 = arith.mulf %mul3A_171, %convert_element_type3A_152 : vector<2048x128xf32>
    %dot_general3A_173 = arith.constant dense<0.000000e+00> : vector<32x128xf32>
    %dot_general3A_174 = tpu.matmul %convert_element_type3A_160, %mul3A_172, %dot_general3A_173 {dimension_numbers = #tpu.dot_dimension_numbers<[1], [0], [0], [1], [0, 0, 1, 1], [], []>, transpose_lhs_hint = false} : vector<32x2048xf32>, vector<2048x128xf32>, vector<32x128xf32> -> vector<32x128xf32>
    %mul3A_175 = arith.constant 3.200000e+01 : f32
    %mul3A_176 = vector.broadcast %mul3A_175 : f32 to vector<32x128xf32>
    %mul3A_177 = arith.mulf %mul3A_176, %dot_general3A_170 : vector<32x128xf32>
    %add3A_178 = arith.addf %mul3A_177, %dot_general3A_174 : vector<32x128xf32>
    %mul3A_179 = arith.constant 3.125000e-02 : f32
    %mul3A_180 = vector.broadcast %mul3A_179 : f32 to vector<2048x1xf32>
    %mul3A_181 = arith.mulf %broadcast_in_dim3A_145, %mul3A_180 : vector<2048x1xf32>
    %floor3A_182 = math.floor %mul3A_181 : vector<2048x1xf32>
    %mul3A_183 = arith.constant 3.200000e+01 : f32
    %mul3A_184 = vector.broadcast %mul3A_183 : f32 to vector<2048x1xf32>
    %mul3A_185 = arith.mulf %mul3A_184, %floor3A_182 : vector<2048x1xf32>
    %sub3A_186 = arith.subf %broadcast_in_dim3A_145, %mul3A_185 : vector<2048x1xf32>
    %mul3A_187 = vector.broadcast %floor3A_182 : vector<2048x1xf32> to vector<2048x128xf32>
    %mul3A_188 = arith.mulf %mul3A_187, %convert_element_type3A_152 : vector<2048x128xf32>
    %dot_general3A_189 = arith.constant dense<0.000000e+00> : vector<32x128xf32>
    %dot_general3A_190 = tpu.matmul %convert_element_type3A_160, %mul3A_188, %dot_general3A_189 {dimension_numbers = #tpu.dot_dimension_numbers<[1], [0], [0], [1], [0, 0, 1, 1], [], []>, transpose_lhs_hint = false} : vector<32x2048xf32>, vector<2048x128xf32>, vector<32x128xf32> -> vector<32x128xf32>
    %mul3A_191 = vector.broadcast %sub3A_186 : vector<2048x1xf32> to vector<2048x128xf32>
    %mul3A_192 = arith.mulf %mul3A_191, %convert_element_type3A_152 : vector<2048x128xf32>
    %dot_general3A_193 = arith.constant dense<0.000000e+00> : vector<32x128xf32>
    %dot_general3A_194 = tpu.matmul %convert_element_type3A_160, %mul3A_192, %dot_general3A_193 {dimension_numbers = #tpu.dot_dimension_numbers<[1], [0], [0], [1], [0, 0, 1, 1], [], []>, transpose_lhs_hint = false} : vector<32x2048xf32>, vector<2048x128xf32>, vector<32x128xf32> -> vector<32x128xf32>
    %mul3A_195 = arith.constant 3.200000e+01 : f32
    %mul3A_196 = vector.broadcast %mul3A_195 : f32 to vector<32x128xf32>
    %mul3A_197 = arith.mulf %mul3A_196, %dot_general3A_190 : vector<32x128xf32>
    %add3A_198 = arith.addf %mul3A_197, %dot_general3A_194 : vector<32x128xf32>
    %concatenate3A_199 = tpu.concatenate %add3A_178, %add3A_198 in 0 : vector<32x128xf32>, vector<32x128xf32> -> vector<64x128xf32>
    %convert_element_type3A_200 = arith.fptosi %concatenate3A_199 : vector<64x128xf32> to vector<64x128xi32>
    %swap3A_201 = arith.constant 0 : index
    %swap3A_202 = arith.constant 0 : index
    %swap3A_203 = vector.load %arg3[%swap3A_201, %swap3A_202] : memref<64x128xi32, #tpu.memory_space<vmem>>, vector<64x128xi32>
    tpu.vector_store %arg3[%swap3A_201, %swap3A_202], %convert_element_type3A_200 {strides = array<i32>} : memref<64x128xi32, #tpu.memory_space<vmem>>, vector<64x128xi32>,
    %convert_element_type3A_204 = arith.fptosi %dot_general3A_126 : vector<1x128xf32> to vector<1x128xi32>
    %iota3A_205 = tpu.iota {dimensions = array<i32: 0>} : vector<32x128xi32>
    %mul3A_206 = arith.constant 512 : i32
    %mul3A_207 = vector.broadcast %mul3A_206 : i32 to vector<32x128xi32>
    %mul3A_208 = arith.muli %iota3A_205, %mul3A_207 : vector<32x128xi32>
    %le3A = vector.broadcast %convert_element_type3A_204 : vector<1x128xi32> to vector<32x128xi32>
    %le3A_209 = arith.cmpi sle, %le3A, %mul3A_208 : vector<32x128xi32>
    %add3A_210 = arith.addi %convert_element_type3A_204, %convert_element_type3A_111 : vector<1x128xi32>
    %lt3A_211 = vector.broadcast %add3A_210 : vector<1x128xi32> to vector<32x128xi32>
    %lt3A_212 = arith.cmpi slt, %mul3A_208, %lt3A_211 : vector<32x128xi32>
    %and3A_213 = arith.andi %le3A_209, %lt3A_212 : vector<32x128xi1>
    %iota3A_214 = tpu.iota {dimensions = array<i32: 1>} : vector<32x128xi32>
    %convert_element_type3A_215 = arith.extui %and3A_213 : vector<32x128xi1> to vector<32x128xi32>
    %reduce_sum3A_216 = arith.constant dense<0> : vector<32xi32>
    %reduce_sum3A_217 = vector.multi_reduction <add>, %convert_element_type3A_215, %reduce_sum3A_216 [1] : vector<32x128xi32> to vector<32xi32>
    %broadcast_in_dim3A_218 = vector.shape_cast %reduce_sum3A_217 : vector<32xi32> to vector<32x1xi32>
    %eq3A_219 = arith.constant 1 : i32
    %eq3A_220 = vector.broadcast %eq3A_219 : i32 to vector<32x1xi32>
    %eq3A_221 = arith.cmpi eq, %broadcast_in_dim3A_218, %eq3A_220 : vector<32x1xi32>
    %jit3A_222 = arith.constant 0 : i32
    %broadcast_in_dim3A_223 = vector.broadcast %jit3A_222 : i32 to vector<32x128xi32>
    %select_n3A_224 = arith.select %and3A_213, %iota3A_214, %broadcast_in_dim3A_223 : vector<32x128xi1>, vector<32x128xi32>
    %reduce_sum3A_225 = arith.constant dense<0> : vector<32xi32>
    %reduce_sum3A_226 = vector.multi_reduction <add>, %select_n3A_224, %reduce_sum3A_225 [1] : vector<32x128xi32> to vector<32xi32>
    %broadcast_in_dim3A_227 = vector.shape_cast %reduce_sum3A_226 : vector<32xi32> to vector<32x1xi32>
    %jit3A_228 = arith.constant 7 : i32
    %broadcast_in_dim3A_229 = vector.broadcast %jit3A_228 : i32 to vector<32x1xi32>
    %select_n3A_230 = arith.select %eq3A_221, %broadcast_in_dim3A_227, %broadcast_in_dim3A_229 : vector<32x1xi1>, vector<32x1xi32>
    %broadcast_in_dim3A_231 = vector.shape_cast %select_n3A_230 : vector<32x1xi32> to vector<32x1xi32>
    %broadcast_in_dim3A_232 = vector.broadcast %broadcast_in_dim3A_231 : vector<32x1xi32> to vector<32x128xi32>
    %swap3A_233 = arith.constant 0 : index
    %swap3A_234 = arith.constant 0 : index
    %swap3A_235 = vector.load %arg6[%swap3A_233, %swap3A_234] : memref<32x128xi32, #tpu.memory_space<vmem>>, vector<32x128xi32>
    tpu.vector_store %arg6[%swap3A_233, %swap3A_234], %broadcast_in_dim3A_232 {strides = array<i32>} : memref<32x128xi32, #tpu.memory_space<vmem>>, vector<32x128xi32>,
    %broadcast_in_dim3A_236 = vector.shape_cast %broadcast_in_dim3A_218 : vector<32x1xi32> to vector<32x1xi32>
    %broadcast_in_dim3A_237 = vector.broadcast %broadcast_in_dim3A_236 : vector<32x1xi32> to vector<32x128xi32>
    %swap3A_238 = arith.constant 0 : index
    %swap3A_239 = arith.constant 0 : index
    %swap3A_240 = vector.load %arg7[%swap3A_238, %swap3A_239] : memref<32x128xi32, #tpu.memory_space<vmem>>, vector<32x128xi32>
    tpu.vector_store %arg7[%swap3A_238, %swap3A_239], %broadcast_in_dim3A_237 {strides = array<i32>} : memref<32x128xi32, #tpu.memory_space<vmem>>, vector<32x128xi32>,
    return
  }
}

</mosaic_0001>

<sc_bundles>
// kernel: kernel.10.cloned.1.call-start
scs
__scs_entry_jumppad:
0x0: {  	(pc) =	sbr.rel $0x88, $3  }
0x1: {  	(tag) =	ssettag $0x0;
	lr =	simm.s32 $0x1  }
0x2: {  	[smem:$0x3F9B] =	sst lr;
	_ =	strace $0xD0000000  }
0x3: {  	_ = 	snop  }
0x4: {  	_ = 	snop  }
0x5: {  	_ = 	snop  }
0x6: {  	_ = 	snop  }
0x7: {  	_ = 	snop  }
__scs_overlays_trampoline_lowered:
0x8: {  	[smem:$0x3FAA] =	sst s0  }
0x9: {  	[smem:$0x3FAB] =	sst s1  }
0xa: {  	[smem:$0x3FAC] =	sst s2  }
0xb: {  	[smem:$0x3FAD] =	sst s3  }
0xc: {  	[smem:$0x3FAE] =	sst s4  }
0xd: {  	[smem:$0x3FAF] =	sst s5  }
0xe: {  	[smem:$0x3FB0] =	sst s6  }
0xf: {  	[smem:$0x3FB1] =	sst s7  }
0x10: {  	[smem:$0x3FB2] =	sst s8  }
0x11: {  	[smem:$0x3FB3] =	sst s9;
	s0 =	simm.s32 @!p0 $0x0  }
0x12: {  	s1 =	sld [smem:$0x3F99];
	s0 =	simm.s32 @p0 $0x1  }
0x13: {  	[smem:$0x3FB4] =	sst s0;
	s0 =	simm.s32 @!p1 $0x0  }
0x14: {  	s2 =	sld [smem:$0x3F98];
	s0 =	simm.s32 @p1 $0x1  }
0x15: {  	[smem:$0x3FB5] =	sst s0;
	s0 =	simm.s32 @!p2 $0x0  }
0x16: {  	s3 =	sld [smem:$0x3FDB];
	s0 =	simm.s32 @p2 $0x1  }
0x17: {  	s4 =	simm.s32 $0x1BF5;
	[smem:$0x3FB7] =	sst s0  }
0x18: {  	s0 =	sld [smem:$0x3F9A];
	_ =	swait.ge [sflag:s4], $0x0  }
0x19: {  	s7 =	sld [smem:$0x3F9B]  }
0x1a: {  	s8 =	sadd.s32 $0xFFFFE003, lr  }
0x1b: {  	s9 =	sadd.s32 $0xFFFFFEF7, lr;
	s5 =	simm.s32 $0xFFFFFFFF;
	p2 =	slt.u32 s8, $0xFFFFF086  }
0x1c: {  	p1 =	slt.u32 s9, $0xF7A;
	s5 =	simm.s32 @!p2 $0x0  }
0x1d: {  	s5 =	simm.s32 @p1 $0x1;
	p0 =	seq.s32 s7, s2  }
0x1e: {  	s7 =	smul.u32 @!p0 $0xF7A, s2;
	p2 =	seq.s32 @!p0 s5, $0x0  }
0x1f: {  	s9 =	smul.u32 $0xF7A, s1;
	s8 =	simm.s32 @!p0 $0x1BF5;
	p2 =	por !p2, p0  }
0x20: {  	[sflag:s8] =	ssyncset.s32 @!p0 $0xFFFFF086;
	s6 =	sadd.s32 @!p0 s3, s7;
	s7 =	simm.s32 @!p0 $0x108  }
0x21: {  	s3 =	sadd.s32 s3, s9;
	s6 =	sadd.s32 @!p0 $0x88, s6;
	s7 =	simm.s32 @p2 $0x1082  }
0x22: {  	[simem:s7], [sflag:s8] =	dma.local @!p0 [hbm:s6], $0xF7A  }
0x23: {  	s9 =	sor.u32 $0xD0000000, s2;
	s6 =	simm.s32 $0x108;
	_ =	swait.ge @!p0 [sflag:s8], $0x0  }
0x24: {  	s3 =	sadd.s32 $0x88, s3;
	s6 =	simm.s32 @!p1 $0x1082;
	[sflag:s4] =	ssyncset.s32 $0xFFFFF086  }
0x25: {  	[simem:s6], [sflag:s4] =	dma.local [hbm:s3], $0xF7A  }
0x26: {  	[smem:$0x3F9B] =	sst s1;
	(tag) =	ssettag s2;
	_ =	strace s9  }
0x27: {  	s1 =	sld [smem:$0x3FAB]  }
0x28: {  	s2 =	sld [smem:$0x3FAC]  }
0x29: {  	s4 =	sld [smem:$0x3FAE]  }
0x2a: {  	p0 =	seq.s32 s5, $0x0;
	s5 =	sld [smem:$0x3FAF]  }
0x2b: {  	s6 =	sld [smem:$0x3FB0]  }
0x2c: {  	s7 =	sld [smem:$0x3FB1]  }
0x2d: {  	s3 =	simm.s32 $0x108;
	s8 =	sld [smem:$0x3FB2]  }
0x2e: {  	s3 =	simm.s32 @!p0 $0x1082;
	s9 =	sld [smem:$0x3FB3]  }
0x2f: {  	lr =	sadd.s32 s0, s3;
	s0 =	sld [smem:$0x3FAA]  }
0x30: {  	s3 =	sld [smem:$0x3FAD]  }
0x31: {  	[smem:$0x3FB6] =	sst s10  }
0x32: {  	s10 =	sld [smem:$0x3FB4];
	_ =	sdelay $0x3  }
0x33: {  	p0 =	seq.s32 s10, $0x1;
	s10 =	sld [smem:$0x3FB6];
	_ =	sdelay $0x3  }
0x34: {  	[smem:$0x3FB6] =	sst s10  }
0x35: {  	s10 =	sld [smem:$0x3FB5];
	_ =	sdelay $0x3  }
0x36: {  	p1 =	seq.s32 s10, $0x1;
	s10 =	sld [smem:$0x3FB6];
	_ =	sdelay $0x3  }
0x37: {  	[smem:$0x3FB6] =	sst s10  }
0x38: {  	s10 =	sld [smem:$0x3FB7]  }
0x39: {  	_ = 	snop;
	(pc) =	sbr.ind lr, $3  }
0x3a: {  	_ = 	snop  }
0x3b: {  	_ = 	snop  }
0x3c: {  	p2 =	seq.s32 s10, $0x1;
	s10 =	sld [smem:$0x3FB6]  }
0x3d: {  	_ =	shalt  }
0x3e: {  	_ =	shalt  }
0x3f: {  	_ =	shalt  }
0x40: {  	_ =	shalt  }
0x41: {  	_ =	shalt  }
0x42: {  	_ =	shalt  }
0x43: {  	_ =	shalt  }
0x44: {  	_ =	shalt  }
0x45: {  	_ =	shalt  }
0x46: {  	_ =	shalt  }
0x47: {  	_ =	shalt  }
0x48: {  	_ =	shalt  }
0x49: {  	_ =	shalt  }
0x4a: {  	_ =	shalt  }
0x4b: {  	_ =	shalt  }
0x4c: {  	_ =	shalt  }
0x4d: {  	_ =	shalt  }
0x4e: {  	_ =	shalt  }
0x4f: {  	_ =	shalt  }
0x50: {  	_ =	shalt  }
0x51: {  	_ =	shalt  }
0x52: {  	_ =	shalt  }
0x53: {  	_ =	shalt  }
0x54: {  	_ =	shalt  }
0x55: {  	_ =	shalt  }
0x56: {  	_ =	shalt  }
0x57: {  	_ =	shalt  }
0x58: {  	_ =	shalt  }
0x59: {  	_ =	shalt  }
0x5a: {  	_ =	shalt  }
0x5b: {  	_ =	shalt  }
0x5c: {  	_ =	shalt  }
0x5d: {  	_ =	shalt  }
0x5e: {  	_ =	shalt  }
0x5f: {  	_ =	shalt  }
0x60: {  	_ =	shalt  }
0x61: {  	_ =	shalt  }
0x62: {  	_ =	shalt  }
0x63: {  	_ =	shalt  }
0x64: {  	_ =	shalt  }
0x65: {  	_ =	shalt  }
0x66: {  	_ =	shalt  }
0x67: {  	_ =	shalt  }
0x68: {  	_ =	shalt  }
0x69: {  	_ =	shalt  }
0x6a: {  	_ =	shalt  }
0x6b: {  	_ =	shalt  }
0x6c: {  	_ =	shalt  }
0x6d: {  	_ =	shalt  }
0x6e: {  	_ =	shalt  }
0x6f: {  	_ =	shalt  }
0x70: {  	_ =	shalt  }
0x71: {  	_ =	shalt  }
0x72: {  	_ =	shalt  }
0x73: {  	_ =	shalt  }
0x74: {  	_ =	shalt  }
0x75: {  	_ =	shalt  }
0x76: {  	_ =	shalt  }
0x77: {  	_ =	shalt  }
0x78: {  	_ =	shalt  }
0x79: {  	_ =	shalt  }
0x7a: {  	_ =	shalt  }
0x7b: {  	_ =	shalt  }
0x7c: {  	_ =	shalt  }
0x7d: {  	_ =	shalt  }
0x7e: {  	_ =	shalt  }
0x7f: {  	_ =	shalt  }
0x80: {  	_ =	shalt  }
0x81: {  	_ =	shalt  }
0x82: {  	_ =	shalt  }
0x83: {  	_ =	shalt  }
0x84: {  	_ =	shalt  }
0x85: {  	_ =	shalt  }
0x86: {  	_ =	shalt  }
0x87: {  	_ =	shalt  }
.Lfunc_end0:
.L_simem_size_0:
called_computation.1_lowered:
.L_overlay_start_0:
0x88: {  	s2 =	sld [smem:$0x3FD9]  }
0x89: {  	s3 =	sld [smem:$0x3FFE];
	_ =	sdelay $0x1  }
0x8a: {  	s1 =	srdreg.scid  }
0x8b: {  	s0 =	sand.u32 $0x1, s1  }
0x8c: {  	s17 =	sshll.u32 s0, $0xA;
	s2 =	sadd.s32 s3, s2  }
0x8d: {  	s2 =	sadd.s32 s2, s17  }
0x8e: {  	[smem:$0x3FC2] =	sst s2  }
0x8f: {  	_ = 	snop  }
0x90: {  	s2 =	sld [smem:$0x3FD0];
	(tm) =	ssettm $0x1  }
0x91: {  	s18 =	sld [smem:$0x3FFB];
	_ =	sdelay $0x3  }
0x92: {  	_ =	strace s18  }
0x93: {  	s3 =	sld [smem:$0x3FFC];
	_ =	sdelay $0x3  }
0x94: {  	_ =	strace s3  }
0x95: {  	s3 =	sld [smem:$0x3FFD];
	_ =	sdelay $0x3  }
0x96: {  	_ =	strace s3  }
0x97: {  	_ =	strace $0x8FFFFFFF  }
0x98: {  	s19 =	sld [smem:$0x3FDB];
	_ =	sdelay $0x1  }
0x99: {  	s4 =	simm.s32 $_scs_section_size  }
0x9a: {  	s5 =	simm.s32 $_size__tile_overlayer_lowered;
	s6 =	simm.s32 $_tile_overlayer_lowered  }
0x9b: {  	s22 =	simm.s32 $0x1BFF;
	s21 =	sshll.u32 s6, $0x1;
	s3 =	sadd.s32 s4, s19  }
0x9c: {  	s7 =	simm.s32 $0x0;
	s20 =	sshll.u32 s5, $0x1;
	s5 =	sadd.s32 s21, s3  }
0x9d: {  	[timem:s7], [sflag:s22] =	dma.local [hbm:s5], s20  }
0x9e: {  	_ =	swait.ge [sflag:s22], s20  }
0x9f: {  	s4 =	ssub.s32 $0x0, s20;
	[sflag:s22] =	ssyncset.done $0x0  }
0xa0: {  	[sflag:s22] =	ssyncadd.s32 s4;
	_ =	sdelay $0x1  }
0xa1: {  	s23 =	simm.s32 $0x1B8B  }
0xa2: {  	_ =	swait.ge [sflag:s23], $0x1  }
0xa3: {  	[sflag:s23] =	ssyncset.done $0x0  }
0xa4: {  	s25 =	simm.s32 $0x1B8E;
	s24 =	sld [smem:$0x3FFE];
	[sflag:s23] =	ssyncadd.s32 $0xFFFFFFFF  }
0xa5: {  	s26 =	simm.s32 $execute0_lowered;
	[smem:$0x3FD2] =	sst s25  }
0xa6: {  	s5 =	sshll.u32 s26, $0x1;
	_ =	strace $0x80000049;
	[dreg:$0x1] =	wrdreg $0xFFFFFFFF  }
0xa7: {  	s28 =	simm.s32 $_size_execute0_lowered;
	s3 =	sadd.s32 s3, s5;
	[dreg:$0x0] =	wrdreg $0x0  }
0xa8: {  	s5 =	sshll.u32 s28, $0x1;
	[dreg:$0x2] =	wrdreg s3  }
0xa9: {  	[dreg:$0x3] =	wrdreg s5  }
0xaa: {  	[dreg:$0x4] =	wrdreg $0xC0  }
0xab: {  	_ =	task [dreg:s7], $0x5FFFF  }
0xac: {  	[dreg:$0x1] =	wrdreg $0xFFFFFFFF  }
0xad: {  	[dreg:$0x0] =	wrdreg $0x60  }
0xae: {  	[dreg:$0x2] =	wrdreg s24  }
0xaf: {  	[dreg:$0x3] =	wrdreg s2  }
0xb0: {  	[dreg:$0x4] =	wrdreg $0x9  }
0xb1: {  	_ =	task.clear_ibuf [dreg:s7], $0x5FFFF;
	_ =	strace $0x90000049  }
0xb2: {  	s29 =	simm.s32 $0x9;
	_ =	strace $0x8000004B  }
0xb3: {  	_ =	swait.ge [sflag:s29], $0x1  }
0xb4: {  	[sflag:s29] =	ssyncadd.s32 $0xFFFFFFFF  }
0xb5: {  	_ =	strace $0x9000004B  }
0xb6: {  	_ =	sfence  }
0xb7: {  	s30 =	sld [smem:$0x0];
	_ =	sdelay $0x2  }
0xb8: {  	s31 =	sshll.u32 s1, $0xD;
	s1 =	sshrl.u32 s1, $0x2  }
0xb9: {  	s3 =	sand.u32 $0x4000, s31;
	s1 =	sadd.s32 s1, s30  }
0xba: {  	s0 =	sor.u32 s3, s0;
	s1 =	sshll.u32 s1, $0x11  }
0xbb: {  	s0 =	sor.u32 s1, s0  }
0xbc: {  	s0 =	sadd.s32 $0x8F2B, s0  }
0xbd: {  	[sflag:s0] =	ssyncadd.remote.s32 $0x1  }
0xbe: {  	_ =	sfence.sel $0xFFFF  }
0xbf: {  	[dreg:$0x0] =	wrdreg $0xFFFFFFFF;
	(pc) =	sbr.abs _section_cstart, $3  }
0xc0: {  	[dreg:$0x1] =	wrdreg $0xFFFFFFFF  }
0xc1: {  	_ =	task.clear_ibuf [dreg:s7], $0x2FFFF;
	_ =	strace $0x9FFFFFFF  }
0xc2: {  	(tm) =	ssettm $0x7FFFFFFF  }
0xc3: {  	_ =	shalt  }
tec
execute0_lowered:
.L_overlay_start_1:
0x0: {  	(tag) =	ssettag $0x1  }
0x1: {  	s1 =	srdreg.scid;
	s4 =	rddreg [dreg:$0x0]  }
0x2: {  	s0 =	stileid.u32;
	s3 =	rddreg [dreg:$0x1]  }
0x3: {  	s18 =	simm.s32 $0x10000;
	s19 =	simm.s32 $0x10080;
	s20 =	simm.s32 $0x800  }
0x4: {  	s21 =	simm.s32 $0x1000;
	s23 =	simm.s32 $0x1800;
	s24 =	simm.s32 $0x2000  }
0x5: {  	s25 =	simm.s32 $0x2800;
	s26 =	simm.s32 $0x3000;
	s10 =	simm.s32 $0x5000  }
0x6: {  	s11 =	simm.s32 $0x5800;
	s1 =	sand.u32 $0x1, s1;
	s2 =	sshll.u32 s0, $0x1  }
0x7: {  	s12 =	simm.s32 $0x6000;
	s5 =	sor.u32 s1, s2;
	s2 =	simm.s32 $0x0  }
0x8: {  	s13 =	simm.s32 $0x6800;
	s14 =	simm.s32 $0x7000;
	[smem:$0x7FF] =	sst s2  }
0x9: {  	s15 =	simm.s32 $0x7800;
	_ =	strace $0x8000004A;
	[dreg:$0x7] =	wrdreg s18  }
0xa: {  	s28 =	simm.s32 $0xD800;
	s29 =	simm.s32 $0xE000;
	[dreg:$0x8] =	wrdreg s19  }
0xb: {  	s30 =	simm.s32 $0xE800;
	s31 =	simm.s32 $0xF000;
	[dreg:$0x9] =	wrdreg s20  }
0xc: {  	s1 =	ssub.s32 $0x2, s1;
	s6 =	sshll.u32 s5, $0x4;
	[dreg:$0xa] =	wrdreg s21  }
0xd: {  	s5 =	sshll.u32 s5, $0xC;
	s22 =	sshrl.u32 s1, $0x1;
	[dreg:$0xb] =	wrdreg s23  }
0xe: {  	s6 =	sadd.s32 s6, s4;
	s16 =	sadd.s32 s5, s4;
	[dreg:$0xc] =	wrdreg s24  }
0xf: {  	s3 =	sadd.s32 s3, s5;
	s1 =	ssub.s32 s1, s22;
	[dreg:$0xd] =	wrdreg s25  }
0x10: {  	[dreg:$0xe] =	wrdreg s26;
	s18 =	simm.s32 $0x9000;
	s19 =	simm.s32 $0x9800  }
0x11: {  	s20 =	simm.s32 $0xA000;
	s21 =	simm.s32 $0xA800;
	s22 =	simm.s32 $0xB000  }
0x12: {  	s23 =	simm.s32 $0xB800;
	s24 =	simm.s32 $0xC000;
	s25 =	simm.s32 $0xC800  }
0x13: {  	s26 =	simm.s32 $0xD000;
	s7 =	sadd.s32 $0x1600, s6;
	s6 =	sadd.s32 $0x1800, s6  }
0x14: {  	[dreg:$0x5] =	wrdreg s3;
	s17 =	sadd.s32 $0x81A00, s16;
	s3 =	sadd.s32 $0x1A00, s4  }
0x15: {  	v2 =	vlaneseq.u32;
	s4 =	sadd.s32 $0x1B00, s4;
	s5 =	smax.u32 s1, $0x1;
	[dreg:$0x3] =	wrdreg s7  }
0x16: {  	vm0 =	vmmov $0xffff;
	v1 =	vshrl.u32 v2, $0x3;
	s16 =	simm.s32 $0x8000;
	s1 =	simm.s32 $0xF800;
	[dreg:$0x4] =	wrdreg s6  }
0x17: {  	v0 =	vand.u32 $0x7, v2;
	v2 =	vor.u32 $0x8, v2;
	v1 =	vmul.u32 $0x8, v1;
	[dreg:$0x6] =	wrdreg s17;
	s6 =	simm.s32 $0x1;
	s17 =	simm.s32 $0x8800  }
.LBB2_1:
0x18: {  	s0 =	rddreg [dreg:$0x3]  }
0x19: {  	s7 =	rddreg [dreg:$0x7]  }
0x1a: {  	s8 =	rddreg [dreg:$0x4]  }
0x1b: {  	[tilespmem:s7], [sflag:$0x1] =	stream.linear.gather [hbm4b:s0+s2], $0x40, $0x38;
	[tilespmem:$0x10100] =	vst v63  }
0x1c: {  	s9 =	rddreg [dreg:$0x8]  }
0x1d: {  	[tilespmem:s9], [sflag:$0x1] =	stream.linear.gather [hbm4b:s8+s2], $0x40, $0x38;
	[tilespmem:$0x10100] =	vst v63  }
0x1e: {  	_ =	swait.ge [sflag:s6], $0x40  }
0x1f: {  	[sflag:s6] =	ssyncset.done $0x0  }
0x20: {  	[sflag:s6] =	ssyncadd.s32 $0xFFFFFFC0  }
0x21: {  	_ =	swait.ge [sflag:s6], $0x40  }
0x22: {  	[sflag:s6] =	ssyncset.done $0x0  }
0x23: {  	[sflag:s6] =	ssyncadd.s32 $0xFFFFFFC0  }
0x24: {  	v3 =	vld [tilespmem:$0x10000];
	_ =	sdelay $0x4  }
0x25: {  	v4 =	vshll.u32 v3, $0x2  }
0x26: {  	v3 =	vand.u32 $0x7, v3;
	v4 =	vand.u32 $0xFFFFFFE0, v4  }
0x27: {  	v3 =	vor.u32 v3, v4  }
0x28: {  	v4 =	vperm.xlane v3, v0;
	_ =	sdelay $0x1  }
0x29: {  	v4 =	vadd.s32 v1, v4;
	_ =	sdelay $0x1  }
0x2a: {  	v3 =	vperm.xlane v3, v2;
	_ =	sdelay $0x1  }
0x2b: {  	v3 =	vadd.s32 v1, v3  }
0x2c: {  	[tilespmem:s2], [sflag:$0x1] =	stream.indirect_vreg.gather [hbm4b:s3+s2], $0x80, v4, vm0, $0xb8;
	[tilespmem:$0x10100] =	vst v63  }
0x2d: {  	s7 =	rddreg [dreg:$0x9]  }
0x2e: {  	[tilespmem:s7], [sflag:$0x1] =	stream.indirect_vreg.gather [hbm4b:s4+s2], $0x80, v4, vm0, $0xb8;
	[tilespmem:$0x10100] =	vst v63  }
0x2f: {  	s8 =	rddreg [dreg:$0xa]  }
0x30: {  	[tilespmem:s8], [sflag:$0x1] =	stream.indirect_vreg.gather [hbm4b:s3+s2], $0x80, v3, vm0, $0xb8;
	[tilespmem:$0x10100] =	vst v63  }
0x31: {  	s9 =	rddreg [dreg:$0xb]  }
0x32: {  	[tilespmem:s9], [sflag:$0x1] =	stream.indirect_vreg.gather [hbm4b:s4+s2], $0x80, v3, vm0, $0xb8;
	[tilespmem:$0x10100] =	vst v63  }
0x33: {  	v3 =	vld [tilespmem:$0x10010];
	_ =	sdelay $0x4  }
0x34: {  	v57 =	vshll.u32 v3, $0x2  }
0x35: {  	v3 =	vand.u32 $0x7, v3;
	v4 =	vand.u32 $0xFFFFFFE0, v57  }
0x36: {  	v3 =	vor.u32 v3, v4  }
0x37: {  	v4 =	vperm.xlane v3, v0;
	_ =	sdelay $0x1  }
0x38: {  	v4 =	vadd.s32 v1, v4;
	_ =	sdelay $0x1  }
0x39: {  	v3 =	vperm.xlane v3, v2;
	_ =	sdelay $0x1  }
0x3a: {  	s7 =	rddreg [dreg:$0xc];
	v3 =	vadd.s32 v1, v3  }
0x3b: {  	[tilespmem:s7], [sflag:$0x1] =	stream.indirect_vreg.gather [hbm4b:s3+s2], $0x80, v4, vm0, $0xb8;
	[tilespmem:$0x10100] =	vst v63  }
0x3c: {  	s8 =	rddreg [dreg:$0xd]  }
0x3d: {  	[tilespmem:s8], [sflag:$0x1] =	stream.indirect_vreg.gather [hbm4b:s4+s2], $0x80, v4, vm0, $0xb8;
	[tilespmem:$0x10100] =	vst v63  }
0x3e: {  	s9 =	rddreg [dreg:$0xe]  }
0x3f: {  	[tilespmem:s9], [sflag:$0x1] =	stream.indirect_vreg.gather [hbm4b:s3+s2], $0x80, v3, vm0, $0xb8;
	[tilespmem:$0x10100] =	vst v63  }
0x40: {  	s8 =	simm.s32 $0x3800  }
0x41: {  	[tilespmem:s8], [sflag:$0x1] =	stream.indirect_vreg.gather [hbm4b:s4+s2], $0x80, v3, vm0, $0xb8;
	[tilespmem:$0x10100] =	vst v63  }
0x42: {  	v3 =	vld [tilespmem:$0x10020];
	_ =	sdelay $0x4  }
0x43: {  	v58 =	vshll.u32 v3, $0x2  }
0x44: {  	v3 =	vand.u32 $0x7, v3;
	v4 =	vand.u32 $0xFFFFFFE0, v58  }
0x45: {  	v3 =	vor.u32 v3, v4  }
0x46: {  	v4 =	vperm.xlane v3, v0;
	_ =	sdelay $0x1  }
0x47: {  	v4 =	vadd.s32 v1, v4;
	_ =	sdelay $0x1  }
0x48: {  	v3 =	vperm.xlane v3, v2;
	_ =	sdelay $0x1  }
0x49: {  	s9 =	simm.s32 $0x4000;
	v3 =	vadd.s32 v1, v3  }
0x4a: {  	[tilespmem:s9], [sflag:$0x1] =	stream.indirect_vreg.gather [hbm4b:s3+s2], $0x80, v4, vm0, $0xb8;
	[tilespmem:$0x10100] =	vst v63  }
0x4b: {  	s7 =	simm.s32 $0x4800  }
0x4c: {  	[tilespmem:s7], [sflag:$0x1] =	stream.indirect_vreg.gather [hbm4b:s4+s2], $0x80, v4, vm0, $0xb8;
	[tilespmem:$0x10100] =	vst v63  }
0x4d: {  	_ = 	snop  }
0x4e: {  	[tilespmem:s10], [sflag:$0x1] =	stream.indirect_vreg.gather [hbm4b:s3+s2], $0x80, v3, vm0, $0xb8;
	[tilespmem:$0x10100] =	vst v63  }
0x4f: {  	_ = 	snop  }
0x50: {  	[tilespmem:s11], [sflag:$0x1] =	stream.indirect_vreg.gather [hbm4b:s4+s2], $0x80, v3, vm0, $0xb8;
	[tilespmem:$0x10100] =	vst v63  }
0x51: {  	v3 =	vld [tilespmem:$0x10030];
	_ =	sdelay $0x4  }
0x52: {  	v59 =	vshll.u32 v3, $0x2  }
0x53: {  	v3 =	vand.u32 $0x7, v3;
	v4 =	vand.u32 $0xFFFFFFE0, v59  }
0x54: {  	v3 =	vor.u32 v3, v4  }
0x55: {  	v4 =	vperm.xlane v3, v0;
	_ =	sdelay $0x1  }
0x56: {  	v4 =	vadd.s32 v1, v4;
	_ =	sdelay $0x1  }
0x57: {  	v3 =	vperm.xlane v3, v2;
	_ =	sdelay $0x1  }
0x58: {  	v3 =	vadd.s32 v1, v3  }
0x59: {  	[tilespmem:s12], [sflag:$0x1] =	stream.indirect_vreg.gather [hbm4b:s3+s2], $0x80, v4, vm0, $0xb8;
	[tilespmem:$0x10100] =	vst v63  }
0x5a: {  	_ = 	snop  }
0x5b: {  	[tilespmem:s13], [sflag:$0x1] =	stream.indirect_vreg.gather [hbm4b:s4+s2], $0x80, v4, vm0, $0xb8;
	[tilespmem:$0x10100] =	vst v63  }
0x5c: {  	_ = 	snop  }
0x5d: {  	[tilespmem:s14], [sflag:$0x1] =	stream.indirect_vreg.gather [hbm4b:s3+s2], $0x80, v3, vm0, $0xb8;
	[tilespmem:$0x10100] =	vst v63  }
0x5e: {  	_ = 	snop  }
0x5f: {  	[tilespmem:s15], [sflag:$0x1] =	stream.indirect_vreg.gather [hbm4b:s4+s2], $0x80, v3, vm0, $0xb8;
	[tilespmem:$0x10100] =	vst v63  }
0x60: {  	v3 =	vld [tilespmem:$0x10080];
	_ =	sdelay $0x4  }
0x61: {  	v60 =	vshll.u32 v3, $0x2  }
0x62: {  	v3 =	vand.u32 $0x7, v3;
	v4 =	vand.u32 $0xFFFFFFE0, v60  }
0x63: {  	v3 =	vor.u32 v3, v4  }
0x64: {  	v4 =	vperm.xlane v3, v0;
	_ =	sdelay $0x1  }
0x65: {  	v4 =	vadd.s32 v1, v4;
	_ =	sdelay $0x1  }
0x66: {  	v3 =	vperm.xlane v3, v2;
	_ =	sdelay $0x1  }
0x67: {  	v3 =	vadd.s32 v1, v3  }
0x68: {  	[tilespmem:s16], [sflag:$0x1] =	stream.indirect_vreg.gather [hbm4b:s3+s2], $0x80, v4, vm0, $0xb8;
	[tilespmem:$0x10100] =	vst v63  }
0x69: {  	_ = 	snop  }
0x6a: {  	[tilespmem:s17], [sflag:$0x1] =	stream.indirect_vreg.gather [hbm4b:s4+s2], $0x80, v4, vm0, $0xb8;
	[tilespmem:$0x10100] =	vst v63  }
0x6b: {  	_ = 	snop  }
0x6c: {  	[tilespmem:s18], [sflag:$0x1] =	stream.indirect_vreg.gather [hbm4b:s3+s2], $0x80, v3, vm0, $0xb8;
	[tilespmem:$0x10100] =	vst v63  }
0x6d: {  	_ = 	snop  }
0x6e: {  	[tilespmem:s19], [sflag:$0x1] =	stream.indirect_vreg.gather [hbm4b:s4+s2], $0x80, v3, vm0, $0xb8;
	[tilespmem:$0x10100] =	vst v63  }
0x6f: {  	v3 =	vld [tilespmem:$0x10090];
	_ =	sdelay $0x4  }
0x70: {  	v61 =	vshll.u32 v3, $0x2  }
0x71: {  	v3 =	vand.u32 $0x7, v3;
	v4 =	vand.u32 $0xFFFFFFE0, v61  }
0x72: {  	v3 =	vor.u32 v3, v4  }
0x73: {  	v4 =	vperm.xlane v3, v0;
	_ =	sdelay $0x1  }
0x74: {  	v4 =	vadd.s32 v1, v4;
	_ =	sdelay $0x1  }
0x75: {  	v3 =	vperm.xlane v3, v2;
	_ =	sdelay $0x1  }
0x76: {  	v3 =	vadd.s32 v1, v3  }
0x77: {  	[tilespmem:s20], [sflag:$0x1] =	stream.indirect_vreg.gather [hbm4b:s3+s2], $0x80, v4, vm0, $0xb8;
	[tilespmem:$0x10100] =	vst v63  }
0x78: {  	_ = 	snop  }
0x79: {  	[tilespmem:s21], [sflag:$0x1] =	stream.indirect_vreg.gather [hbm4b:s4+s2], $0x80, v4, vm0, $0xb8;
	[tilespmem:$0x10100] =	vst v63  }
0x7a: {  	_ = 	snop  }
0x7b: {  	[tilespmem:s22], [sflag:$0x1] =	stream.indirect_vreg.gather [hbm4b:s3+s2], $0x80, v3, vm0, $0xb8;
	[tilespmem:$0x10100] =	vst v63  }
0x7c: {  	_ = 	snop  }
0x7d: {  	[tilespmem:s23], [sflag:$0x1] =	stream.indirect_vreg.gather [hbm4b:s4+s2], $0x80, v3, vm0, $0xb8;
	[tilespmem:$0x10100] =	vst v63  }
0x7e: {  	v3 =	vld [tilespmem:$0x100A0];
	_ =	sdelay $0x4  }
0x7f: {  	v62 =	vshll.u32 v3, $0x2  }
0x80: {  	v3 =	vand.u32 $0x7, v3;
	v4 =	vand.u32 $0xFFFFFFE0, v62  }
0x81: {  	v3 =	vor.u32 v3, v4  }
0x82: {  	v4 =	vperm.xlane v3, v0;
	_ =	sdelay $0x1  }
0x83: {  	v4 =	vadd.s32 v1, v4;
	_ =	sdelay $0x1  }
0x84: {  	v3 =	vperm.xlane v3, v2;
	_ =	sdelay $0x1  }
0x85: {  	v3 =	vadd.s32 v1, v3  }
0x86: {  	[tilespmem:s24], [sflag:$0x1] =	stream.indirect_vreg.gather [hbm4b:s3+s2], $0x80, v4, vm0, $0xb8;
	[tilespmem:$0x10100] =	vst v63  }
0x87: {  	_ = 	snop  }
0x88: {  	[tilespmem:s25], [sflag:$0x1] =	stream.indirect_vreg.gather [hbm4b:s4+s2], $0x80, v4, vm0, $0xb8;
	[tilespmem:$0x10100] =	vst v63  }
0x89: {  	_ = 	snop  }
0x8a: {  	[tilespmem:s26], [sflag:$0x1] =	stream.indirect_vreg.gather [hbm4b:s3+s2], $0x80, v3, vm0, $0xb8;
	[tilespmem:$0x10100] =	vst v63  }
0x8b: {  	_ = 	snop  }
0x8c: {  	[tilespmem:s28], [sflag:$0x1] =	stream.indirect_vreg.gather [hbm4b:s4+s2], $0x80, v3, vm0, $0xb8;
	[tilespmem:$0x10100] =	vst v63  }
0x8d: {  	v3 =	vld [tilespmem:$0x100B0];
	_ =	sdelay $0x4  }
0x8e: {  	v63 =	vshll.u32 v3, $0x2  }
0x8f: {  	v3 =	vand.u32 $0x7, v3;
	v4 =	vand.u32 $0xFFFFFFE0, v63  }
0x90: {  	v3 =	vor.u32 v3, v4  }
0x91: {  	v4 =	vperm.xlane v3, v0;
	_ =	sdelay $0x1  }
0x92: {  	v4 =	vadd.s32 v1, v4;
	_ =	sdelay $0x1  }
0x93: {  	v3 =	vperm.xlane v3, v2;
	_ =	sdelay $0x1  }
0x94: {  	v3 =	vadd.s32 v1, v3  }
0x95: {  	[tilespmem:s29], [sflag:$0x1] =	stream.indirect_vreg.gather [hbm4b:s3+s2], $0x80, v4, vm0, $0xb8;
	[tilespmem:$0x10100] =	vst v63  }
0x96: {  	_ = 	snop  }
0x97: {  	[tilespmem:s30], [sflag:$0x1] =	stream.indirect_vreg.gather [hbm4b:s4+s2], $0x80, v4, vm0, $0xb8;
	[tilespmem:$0x10100] =	vst v63  }
0x98: {  	_ = 	snop  }
0x99: {  	[tilespmem:s31], [sflag:$0x1] =	stream.indirect_vreg.gather [hbm4b:s3+s2], $0x80, v3, vm0, $0xb8;
	[tilespmem:$0x10100] =	vst v63  }
0x9a: {  	_ = 	snop  }
0x9b: {  	[tilespmem:s1], [sflag:$0x1] =	stream.indirect_vreg.gather [hbm4b:s4+s2], $0x80, v3, vm0, $0xb8;
	[tilespmem:$0x10100] =	vst v63  }
0x9c: {  	_ =	swait.ge [sflag:s6], $0x8000  }
0x9d: {  	[sflag:s6] =	ssyncset.done $0x0  }
0x9e: {  	[sflag:s6] =	ssyncadd.s32 $0xFFFF8000  }
0x9f: {  	_ =	swait.ge [sflag:s6], $0x8000  }
0xa0: {  	[sflag:s6] =	ssyncset.done $0x0  }
0xa1: {  	s8 =	rddreg [dreg:$0x5];
	[sflag:s6] =	ssyncadd.s32 $0xFFFF8000  }
0xa2: {  	[hbm4b:s8+s2] =	stream.linear.scatter [tilespmem:s2], [sflag:$0x1], $0x8000, $0x38;
	[tilespmem:$0x10100] =	vst v63  }
0xa3: {  	s9 =	rddreg [dreg:$0x6]  }
0xa4: {  	[hbm4b:s9+s2] =	stream.linear.scatter [tilespmem:s16], [sflag:$0x1], $0x8000, $0x38;
	[tilespmem:$0x10100] =	vst v63  }
0xa5: {  	p0 =	sne.s32 s5, $0x1;
	_ =	swait.ge [sflag:s6], $0x8000  }
.Ltmp0:
0xa6: {  	[sflag:s6] =	ssyncset.done $0x0;
	(pc) =	sbr.rel @p0 .LBB2_1-.Ltmp0, $4  }
0xa7: {  	[sflag:s6] =	ssyncadd.s32 $0xFFFF8000  }
0xa8: {  	_ =	swait.ge [sflag:s6], $0x8000  }
0xa9: {  	[sflag:s6] =	ssyncset.done $0x0  }
0xaa: {  	s5 =	sadd.s32 $0xFFFFFFFF, s5;
	[sflag:s6] =	ssyncadd.s32 $0xFFFF8000  }
0xab: {  	_ =	sfence.sel $0x180000  }
0xac: {  	[bflag:$0x0] =	sbarrier.arrive $0xFFFF  }
0xad: {  	_ =	strace $0x9000004A  }
0xae: {  	s0 =	stileid.u32;
	[bflag:$0x2] =	sbarrier.arrive $0xFFFF  }
0xaf: {  	p0 =	sne.s32 s0, $0x0;
	s0 =	rddreg [dreg:$0x2]  }
0xb0: {  	s0 =	sadd.s32 @!p0 $0x100000, s0  }
0xb1: {  	[sflag:s0] =	ssyncadd.tile.s32 @!p0 $0x1;
	_ =	shalt  }
.Lfunc_end2:
_tile_overlayer_lowered:
.L_overlay_start_2:
0xb2: {  	(tag) =	ssettag $0x2  }
0xb3: {  	s0 =	rddreg [dreg:$0x0];
	s2 =	stileid.u32  }
0xb4: {  	s1 =	rddreg [dreg:$0x1];
	p0 =	sne.s32 s2, $0x0  }
0xb5: {  	s3 =	rddreg [dreg:$0x2];
	[bflag:$0x3] =	sbarrier.arrive $0xFFFF;
	s2 =	simm.s32 @!p0 $0x1C02  }
0xb6: {  	[timem:s3], [sflag:s2] =	dma.local @!p0 [hbm:s0], s1  }
0xb7: {  	s0 =	simm.s32 @!p0 $0x2  }
0xb8: {  	_ =	swait.ge @!p0 [sflag:s0], s1  }
0xb9: {  	s1 =	ssub.s32 @!p0 $0x0, s1;
	[sflag:s0] =	ssyncset.done @!p0 $0x0  }
0xba: {  	[sflag:s0] =	ssyncadd.s32 @!p0 s1  }
0xbb: {  	[bflag:$0x3] =	sbarrier.arrive $0xFFFF  }
0xbc: {  	_ =	shalt  }

// kernel: kernel.7.cloned.1.call-start
scs
__scs_entry_jumppad:
0x0: {  	(pc) =	sbr.rel $0x88, $3  }
0x1: {  	(tag) =	ssettag $0x0;
	lr =	simm.s32 $0x1  }
0x2: {  	[smem:$0x3F9B] =	sst lr;
	_ =	strace $0xD0000000  }
0x3: {  	_ = 	snop  }
0x4: {  	_ = 	snop  }
0x5: {  	_ = 	snop  }
0x6: {  	_ = 	snop  }
0x7: {  	_ = 	snop  }
__scs_overlays_trampoline_lowered:
0x8: {  	[smem:$0x3FAA] =	sst s0  }
0x9: {  	[smem:$0x3FAB] =	sst s1  }
0xa: {  	[smem:$0x3FAC] =	sst s2  }
0xb: {  	[smem:$0x3FAD] =	sst s3  }
0xc: {  	[smem:$0x3FAE] =	sst s4  }
0xd: {  	[smem:$0x3FAF] =	sst s5  }
0xe: {  	[smem:$0x3FB0] =	sst s6  }
0xf: {  	[smem:$0x3FB1] =	sst s7  }
0x10: {  	[smem:$0x3FB2] =	sst s8  }
0x11: {  	[smem:$0x3FB3] =	sst s9;
	s0 =	simm.s32 @!p0 $0x0  }
0x12: {  	s1 =	sld [smem:$0x3F99];
	s0 =	simm.s32 @p0 $0x1  }
0x13: {  	[smem:$0x3FB4] =	sst s0;
	s0 =	simm.s32 @!p1 $0x0  }
0x14: {  	s2 =	sld [smem:$0x3F98];
	s0 =	simm.s32 @p1 $0x1  }
0x15: {  	[smem:$0x3FB5] =	sst s0;
	s0 =	simm.s32 @!p2 $0x0  }
0x16: {  	s3 =	sld [smem:$0x3FDB];
	s0 =	simm.s32 @p2 $0x1  }
0x17: {  	s4 =	simm.s32 $0x1BF5;
	[smem:$0x3FB7] =	sst s0  }
0x18: {  	s0 =	sld [smem:$0x3F9A];
	_ =	swait.ge [sflag:s4], $0x0  }
0x19: {  	s7 =	sld [smem:$0x3F9B]  }
0x1a: {  	s8 =	sadd.s32 $0xFFFFE003, lr  }
0x1b: {  	s9 =	sadd.s32 $0xFFFFFEF7, lr;
	s5 =	simm.s32 $0xFFFFFFFF;
	p2 =	slt.u32 s8, $0xFFFFF086  }
0x1c: {  	p1 =	slt.u32 s9, $0xF7A;
	s5 =	simm.s32 @!p2 $0x0  }
0x1d: {  	s5 =	simm.s32 @p1 $0x1;
	p0 =	seq.s32 s7, s2  }
0x1e: {  	s7 =	smul.u32 @!p0 $0xF7A, s2;
	p2 =	seq.s32 @!p0 s5, $0x0  }
0x1f: {  	s9 =	smul.u32 $0xF7A, s1;
	s8 =	simm.s32 @!p0 $0x1BF5;
	p2 =	por !p2, p0  }
0x20: {  	[sflag:s8] =	ssyncset.s32 @!p0 $0xFFFFF086;
	s6 =	sadd.s32 @!p0 s3, s7;
	s7 =	simm.s32 @!p0 $0x108  }
0x21: {  	s3 =	sadd.s32 s3, s9;
	s6 =	sadd.s32 @!p0 $0x88, s6;
	s7 =	simm.s32 @p2 $0x1082  }
0x22: {  	[simem:s7], [sflag:s8] =	dma.local @!p0 [hbm:s6], $0xF7A  }
0x23: {  	s9 =	sor.u32 $0xD0000000, s2;
	s6 =	simm.s32 $0x108;
	_ =	swait.ge @!p0 [sflag:s8], $0x0  }
0x24: {  	s3 =	sadd.s32 $0x88, s3;
	s6 =	simm.s32 @!p1 $0x1082;
	[sflag:s4] =	ssyncset.s32 $0xFFFFF086  }
0x25: {  	[simem:s6], [sflag:s4] =	dma.local [hbm:s3], $0xF7A  }
0x26: {  	[smem:$0x3F9B] =	sst s1;
	(tag) =	ssettag s2;
	_ =	strace s9  }
0x27: {  	s1 =	sld [smem:$0x3FAB]  }
0x28: {  	s2 =	sld [smem:$0x3FAC]  }
0x29: {  	s4 =	sld [smem:$0x3FAE]  }
0x2a: {  	p0 =	seq.s32 s5, $0x0;
	s5 =	sld [smem:$0x3FAF]  }
0x2b: {  	s6 =	sld [smem:$0x3FB0]  }
0x2c: {  	s7 =	sld [smem:$0x3FB1]  }
0x2d: {  	s3 =	simm.s32 $0x108;
	s8 =	sld [smem:$0x3FB2]  }
0x2e: {  	s3 =	simm.s32 @!p0 $0x1082;
	s9 =	sld [smem:$0x3FB3]  }
0x2f: {  	lr =	sadd.s32 s0, s3;
	s0 =	sld [smem:$0x3FAA]  }
0x30: {  	s3 =	sld [smem:$0x3FAD]  }
0x31: {  	[smem:$0x3FB6] =	sst s10  }
0x32: {  	s10 =	sld [smem:$0x3FB4];
	_ =	sdelay $0x3  }
0x33: {  	p0 =	seq.s32 s10, $0x1;
	s10 =	sld [smem:$0x3FB6];
	_ =	sdelay $0x3  }
0x34: {  	[smem:$0x3FB6] =	sst s10  }
0x35: {  	s10 =	sld [smem:$0x3FB5];
	_ =	sdelay $0x3  }
0x36: {  	p1 =	seq.s32 s10, $0x1;
	s10 =	sld [smem:$0x3FB6];
	_ =	sdelay $0x3  }
0x37: {  	[smem:$0x3FB6] =	sst s10  }
0x38: {  	s10 =	sld [smem:$0x3FB7]  }
0x39: {  	_ = 	snop;
	(pc) =	sbr.ind lr, $3  }
0x3a: {  	_ = 	snop  }
0x3b: {  	_ = 	snop  }
0x3c: {  	p2 =	seq.s32 s10, $0x1;
	s10 =	sld [smem:$0x3FB6]  }
0x3d: {  	_ =	shalt  }
0x3e: {  	_ =	shalt  }
0x3f: {  	_ =	shalt  }
0x40: {  	_ =	shalt  }
0x41: {  	_ =	shalt  }
0x42: {  	_ =	shalt  }
0x43: {  	_ =	shalt  }
0x44: {  	_ =	shalt  }
0x45: {  	_ =	shalt  }
0x46: {  	_ =	shalt  }
0x47: {  	_ =	shalt  }
0x48: {  	_ =	shalt  }
0x49: {  	_ =	shalt  }
0x4a: {  	_ =	shalt  }
0x4b: {  	_ =	shalt  }
0x4c: {  	_ =	shalt  }
0x4d: {  	_ =	shalt  }
0x4e: {  	_ =	shalt  }
0x4f: {  	_ =	shalt  }
0x50: {  	_ =	shalt  }
0x51: {  	_ =	shalt  }
0x52: {  	_ =	shalt  }
0x53: {  	_ =	shalt  }
0x54: {  	_ =	shalt  }
0x55: {  	_ =	shalt  }
0x56: {  	_ =	shalt  }
0x57: {  	_ =	shalt  }
0x58: {  	_ =	shalt  }
0x59: {  	_ =	shalt  }
0x5a: {  	_ =	shalt  }
0x5b: {  	_ =	shalt  }
0x5c: {  	_ =	shalt  }
0x5d: {  	_ =	shalt  }
0x5e: {  	_ =	shalt  }
0x5f: {  	_ =	shalt  }
0x60: {  	_ =	shalt  }
0x61: {  	_ =	shalt  }
0x62: {  	_ =	shalt  }
0x63: {  	_ =	shalt  }
0x64: {  	_ =	shalt  }
0x65: {  	_ =	shalt  }
0x66: {  	_ =	shalt  }
0x67: {  	_ =	shalt  }
0x68: {  	_ =	shalt  }
0x69: {  	_ =	shalt  }
0x6a: {  	_ =	shalt  }
0x6b: {  	_ =	shalt  }
0x6c: {  	_ =	shalt  }
0x6d: {  	_ =	shalt  }
0x6e: {  	_ =	shalt  }
0x6f: {  	_ =	shalt  }
0x70: {  	_ =	shalt  }
0x71: {  	_ =	shalt  }
0x72: {  	_ =	shalt  }
0x73: {  	_ =	shalt  }
0x74: {  	_ =	shalt  }
0x75: {  	_ =	shalt  }
0x76: {  	_ =	shalt  }
0x77: {  	_ =	shalt  }
0x78: {  	_ =	shalt  }
0x79: {  	_ =	shalt  }
0x7a: {  	_ =	shalt  }
0x7b: {  	_ =	shalt  }
0x7c: {  	_ =	shalt  }
0x7d: {  	_ =	shalt  }
0x7e: {  	_ =	shalt  }
0x7f: {  	_ =	shalt  }
0x80: {  	_ =	shalt  }
0x81: {  	_ =	shalt  }
0x82: {  	_ =	shalt  }
0x83: {  	_ =	shalt  }
0x84: {  	_ =	shalt  }
0x85: {  	_ =	shalt  }
0x86: {  	_ =	shalt  }
0x87: {  	_ =	shalt  }
.Lfunc_end0:
.L_simem_size_0:
called_computation_lowered:
.L_overlay_start_0:
0x88: {  	s2 =	sld [smem:$0x3FD9]  }
0x89: {  	s3 =	sld [smem:$0x3FFE];
	_ =	sdelay $0x1  }
0x8a: {  	s1 =	srdreg.scid  }
0x8b: {  	s0 =	sand.u32 $0x1, s1  }
0x8c: {  	s17 =	sshll.u32 s0, $0xA;
	s2 =	sadd.s32 s3, s2  }
0x8d: {  	s2 =	sadd.s32 s2, s17  }
0x8e: {  	[smem:$0x3FC2] =	sst s2  }
0x8f: {  	_ = 	snop  }
0x90: {  	s2 =	sld [smem:$0x3FD0];
	(tm) =	ssettm $0x1  }
0x91: {  	s18 =	sld [smem:$0x3FFB];
	_ =	sdelay $0x3  }
0x92: {  	_ =	strace s18  }
0x93: {  	s3 =	sld [smem:$0x3FFC];
	_ =	sdelay $0x3  }
0x94: {  	_ =	strace s3  }
0x95: {  	s3 =	sld [smem:$0x3FFD];
	_ =	sdelay $0x3  }
0x96: {  	_ =	strace s3  }
0x97: {  	_ =	strace $0x8FFFFFFF  }
0x98: {  	s19 =	sld [smem:$0x3FDB];
	_ =	sdelay $0x1  }
0x99: {  	s4 =	simm.s32 $_scs_section_size  }
0x9a: {  	s5 =	simm.s32 $_size__tile_overlayer_lowered;
	s6 =	simm.s32 $_tile_overlayer_lowered  }
0x9b: {  	s22 =	simm.s32 $0x1BFF;
	s21 =	sshll.u32 s6, $0x1;
	s3 =	sadd.s32 s4, s19  }
0x9c: {  	s7 =	simm.s32 $0x0;
	s20 =	sshll.u32 s5, $0x1;
	s5 =	sadd.s32 s21, s3  }
0x9d: {  	[timem:s7], [sflag:s22] =	dma.local [hbm:s5], s20  }
0x9e: {  	_ =	swait.ge [sflag:s22], s20  }
0x9f: {  	s4 =	ssub.s32 $0x0, s20;
	[sflag:s22] =	ssyncset.done $0x0  }
0xa0: {  	[sflag:s22] =	ssyncadd.s32 s4;
	_ =	sdelay $0x1  }
0xa1: {  	s23 =	simm.s32 $0x1B8B  }
0xa2: {  	_ =	swait.ge [sflag:s23], $0x1  }
0xa3: {  	[sflag:s23] =	ssyncset.done $0x0  }
0xa4: {  	s25 =	simm.s32 $0x1B8E;
	s24 =	sld [smem:$0x3FFE];
	[sflag:s23] =	ssyncadd.s32 $0xFFFFFFFF  }
0xa5: {  	s26 =	simm.s32 $execute0_lowered;
	[smem:$0x3FD2] =	sst s25  }
0xa6: {  	s5 =	sshll.u32 s26, $0x1;
	_ =	strace $0x80000046;
	[dreg:$0x1] =	wrdreg $0xFFFFFFFF  }
0xa7: {  	s28 =	simm.s32 $_size_execute0_lowered;
	s3 =	sadd.s32 s3, s5;
	[dreg:$0x0] =	wrdreg $0x0  }
0xa8: {  	s5 =	sshll.u32 s28, $0x1;
	[dreg:$0x2] =	wrdreg s3  }
0xa9: {  	[dreg:$0x3] =	wrdreg s5  }
0xaa: {  	[dreg:$0x4] =	wrdreg $0xC0  }
0xab: {  	_ =	task [dreg:s7], $0x5FFFF  }
0xac: {  	[dreg:$0x1] =	wrdreg $0xFFFFFFFF  }
0xad: {  	[dreg:$0x0] =	wrdreg $0x60  }
0xae: {  	[dreg:$0x2] =	wrdreg s2  }
0xaf: {  	[dreg:$0x3] =	wrdreg s24  }
0xb0: {  	[dreg:$0x4] =	wrdreg $0x9  }
0xb1: {  	_ =	task.clear_ibuf [dreg:s7], $0x5FFFF;
	_ =	strace $0x90000046  }
0xb2: {  	s29 =	simm.s32 $0x9;
	_ =	strace $0x80000048  }
0xb3: {  	_ =	swait.ge [sflag:s29], $0x1  }
0xb4: {  	[sflag:s29] =	ssyncadd.s32 $0xFFFFFFFF  }
0xb5: {  	_ =	strace $0x90000048  }
0xb6: {  	_ =	sfence  }
0xb7: {  	s30 =	sld [smem:$0x0];
	_ =	sdelay $0x2  }
0xb8: {  	s31 =	sshll.u32 s1, $0xD;
	s1 =	sshrl.u32 s1, $0x2  }
0xb9: {  	s3 =	sand.u32 $0x4000, s31;
	s1 =	sadd.s32 s1, s30  }
0xba: {  	s0 =	sor.u32 s3, s0;
	s1 =	sshll.u32 s1, $0x11  }
0xbb: {  	s0 =	sor.u32 s1, s0  }
0xbc: {  	s0 =	sadd.s32 $0x8F2B, s0  }
0xbd: {  	[sflag:s0] =	ssyncadd.remote.s32 $0x1  }
0xbe: {  	_ =	sfence.sel $0xFFFF  }
0xbf: {  	[dreg:$0x0] =	wrdreg $0xFFFFFFFF;
	(pc) =	sbr.abs _section_cstart, $3  }
0xc0: {  	[dreg:$0x1] =	wrdreg $0xFFFFFFFF  }
0xc1: {  	_ =	task.clear_ibuf [dreg:s7], $0x2FFFF;
	_ =	strace $0x9FFFFFFF  }
0xc2: {  	(tm) =	ssettm $0x7FFFFFFF  }
0xc3: {  	_ =	shalt  }
tec
execute0_lowered:
.L_overlay_start_1:
0x0: {  	(tag) =	ssettag $0x1  }
0x1: {  	s4 =	rddreg [dreg:$0x0];
	s1 =	srdreg.scid  }
0x2: {  	s0 =	stileid.u32;
	s7 =	rddreg [dreg:$0x1];
	s2 =	simm.s32 $0x0  }
0x3: {  	s10 =	simm.s32 $0x8080;
	s11 =	simm.s32 $0x1;
	s12 =	simm.s32 $0x800  }
0x4: {  	s13 =	simm.s32 $0x1000;
	s14 =	simm.s32 $0x1800;
	s15 =	simm.s32 $0x2000  }
0x5: {  	s16 =	simm.s32 $0x2800;
	s17 =	simm.s32 $0x3000;
	s18 =	simm.s32 $0x3800  }
0x6: {  	s19 =	simm.s32 $0x4000;
	s20 =	simm.s32 $0x4800;
	s21 =	simm.s32 $0x5000  }
0x7: {  	s22 =	simm.s32 $0x5800;
	s23 =	simm.s32 $0x6000;
	s24 =	simm.s32 $0x6800  }
0x8: {  	s25 =	simm.s32 $0x7000;
	s3 =	sand.u32 $0x1, s1;
	s1 =	rddreg [dreg:$0x2]  }
0x9: {  	s26 =	simm.s32 $0x7800;
	s5 =	sshll.u32 s0, $0x1;
	[smem:$0x7FF] =	sst s2  }
0xa: {  	s5 =	sor.u32 s3, s5;
	_ =	strace $0x80000047;
	s8 =	ssub.s32 $0x2, s3  }
0xb: {  	s3 =	sadd.s32 $0x1A00, s7;
	s6 =	sshll.u32 s5, $0x4;
	s9 =	sshrl.u32 s8, $0x1  }
0xc: {  	v2 =	vlaneseq.u32;
	s5 =	sshll.u32 s5, $0xC;
	s6 =	sadd.s32 s6, s7;
	s8 =	ssub.s32 s8, s9  }
0xd: {  	vm0 =	vmmov $0xffff;
	v1 =	vshrl.u32 v2, $0x3;
	s4 =	sadd.s32 s4, s5;
	s7 =	sadd.s32 $0x1B00, s7;
	s9 =	simm.s32 $0x8000  }
0xe: {  	v0 =	vand.u32 $0x7, v2;
	v2 =	vor.u32 $0x8, v2;
	v1 =	vmul.u32 $0x8, v1;
	s5 =	sadd.s32 $0x1600, s6;
	s6 =	sadd.s32 $0x1800, s6;
	s8 =	smax.u32 s8, $0x1  }
.LBB2_1:
0xf: {  	[tilespmem:s2], [sflag:$0x1] =	stream.linear.gather [hbm4b:s4+s2], $0x8000, $0x38;
	[tilespmem:$0x8100] =	vst v63  }
0x10: {  	_ = 	snop  }
0x11: {  	[tilespmem:s9], [sflag:$0x1] =	stream.linear.gather [hbm4b:s5+s2], $0x40, $0x38;
	[tilespmem:$0x8100] =	vst v63  }
0x12: {  	_ = 	snop  }
0x13: {  	[tilespmem:s10], [sflag:$0x1] =	stream.linear.gather [hbm4b:s6+s2], $0x40, $0x38;
	[tilespmem:$0x8100] =	vst v63  }
0x14: {  	_ =	swait.ge [sflag:s11], $0x8000  }
0x15: {  	[sflag:s11] =	ssyncset.done $0x0  }
0x16: {  	[sflag:s11] =	ssyncadd.s32 $0xFFFF8000  }
0x17: {  	_ =	swait.ge [sflag:s11], $0x40  }
0x18: {  	[sflag:s11] =	ssyncset.done $0x0  }
0x19: {  	[sflag:s11] =	ssyncadd.s32 $0xFFFFFFC0  }
0x1a: {  	_ =	swait.ge [sflag:s11], $0x40  }
0x1b: {  	[sflag:s11] =	ssyncset.done $0x0  }
0x1c: {  	[sflag:s11] =	ssyncadd.s32 $0xFFFFFFC0  }
0x1d: {  	v3 =	vld [tilespmem:$0x8000];
	_ =	sdelay $0x4  }
0x1e: {  	v4 =	vshll.u32 v3, $0x2  }
0x1f: {  	v3 =	vand.u32 $0x7, v3;
	v4 =	vand.u32 $0xFFFFFFE0, v4  }
0x20: {  	v3 =	vor.u32 v3, v4  }
0x21: {  	v4 =	vperm.xlane v3, v0;
	_ =	sdelay $0x1  }
0x22: {  	v4 =	vadd.s32 v1, v4;
	_ =	sdelay $0x1  }
0x23: {  	v3 =	vperm.xlane v3, v2;
	_ =	sdelay $0x1  }
0x24: {  	v3 =	vadd.s32 v1, v3  }
0x25: {  	[hbm4b:s3+s2] =	stream.indirect_vreg.scatter [tilespmem:s2], [sflag:$0x1], $0x80, v4, vm0, $0xb8;
	[tilespmem:$0x8100] =	vst v63  }
0x26: {  	_ = 	snop  }
0x27: {  	[hbm4b:s7+s2] =	stream.indirect_vreg.scatter [tilespmem:s12], [sflag:$0x1], $0x80, v4, vm0, $0xb8;
	[tilespmem:$0x8100] =	vst v63  }
0x28: {  	_ = 	snop  }
0x29: {  	[hbm4b:s3+s2] =	stream.indirect_vreg.scatter [tilespmem:s13], [sflag:$0x1], $0x80, v3, vm0, $0xb8;
	[tilespmem:$0x8100] =	vst v63  }
0x2a: {  	_ = 	snop  }
0x2b: {  	[hbm4b:s7+s2] =	stream.indirect_vreg.scatter [tilespmem:s14], [sflag:$0x1], $0x80, v3, vm0, $0xb8;
	[tilespmem:$0x8100] =	vst v63  }
0x2c: {  	v3 =	vld [tilespmem:$0x8010];
	_ =	sdelay $0x4  }
0x2d: {  	v57 =	vshll.u32 v3, $0x2  }
0x2e: {  	v3 =	vand.u32 $0x7, v3;
	v4 =	vand.u32 $0xFFFFFFE0, v57  }
0x2f: {  	v3 =	vor.u32 v3, v4  }
0x30: {  	v4 =	vperm.xlane v3, v0;
	_ =	sdelay $0x1  }
0x31: {  	v4 =	vadd.s32 v1, v4;
	_ =	sdelay $0x1  }
0x32: {  	v3 =	vperm.xlane v3, v2;
	_ =	sdelay $0x1  }
0x33: {  	v3 =	vadd.s32 v1, v3  }
0x34: {  	[hbm4b:s3+s2] =	stream.indirect_vreg.scatter [tilespmem:s15], [sflag:$0x1], $0x80, v4, vm0, $0xb8;
	[tilespmem:$0x8100] =	vst v63  }
0x35: {  	_ = 	snop  }
0x36: {  	[hbm4b:s7+s2] =	stream.indirect_vreg.scatter [tilespmem:s16], [sflag:$0x1], $0x80, v4, vm0, $0xb8;
	[tilespmem:$0x8100] =	vst v63  }
0x37: {  	_ = 	snop  }
0x38: {  	[hbm4b:s3+s2] =	stream.indirect_vreg.scatter [tilespmem:s17], [sflag:$0x1], $0x80, v3, vm0, $0xb8;
	[tilespmem:$0x8100] =	vst v63  }
0x39: {  	_ = 	snop  }
0x3a: {  	[hbm4b:s7+s2] =	stream.indirect_vreg.scatter [tilespmem:s18], [sflag:$0x1], $0x80, v3, vm0, $0xb8;
	[tilespmem:$0x8100] =	vst v63  }
0x3b: {  	v3 =	vld [tilespmem:$0x8020];
	_ =	sdelay $0x4  }
0x3c: {  	v58 =	vshll.u32 v3, $0x2  }
0x3d: {  	v3 =	vand.u32 $0x7, v3;
	v4 =	vand.u32 $0xFFFFFFE0, v58  }
0x3e: {  	v3 =	vor.u32 v3, v4  }
0x3f: {  	v4 =	vperm.xlane v3, v0;
	_ =	sdelay $0x1  }
0x40: {  	v4 =	vadd.s32 v1, v4;
	_ =	sdelay $0x1  }
0x41: {  	v3 =	vperm.xlane v3, v2;
	_ =	sdelay $0x1  }
0x42: {  	v3 =	vadd.s32 v1, v3  }
0x43: {  	[hbm4b:s3+s2] =	stream.indirect_vreg.scatter [tilespmem:s19], [sflag:$0x1], $0x80, v4, vm0, $0xb8;
	[tilespmem:$0x8100] =	vst v63  }
0x44: {  	_ = 	snop  }
0x45: {  	[hbm4b:s7+s2] =	stream.indirect_vreg.scatter [tilespmem:s20], [sflag:$0x1], $0x80, v4, vm0, $0xb8;
	[tilespmem:$0x8100] =	vst v63  }
0x46: {  	_ = 	snop  }
0x47: {  	[hbm4b:s3+s2] =	stream.indirect_vreg.scatter [tilespmem:s21], [sflag:$0x1], $0x80, v3, vm0, $0xb8;
	[tilespmem:$0x8100] =	vst v63  }
0x48: {  	_ = 	snop  }
0x49: {  	[hbm4b:s7+s2] =	stream.indirect_vreg.scatter [tilespmem:s22], [sflag:$0x1], $0x80, v3, vm0, $0xb8;
	[tilespmem:$0x8100] =	vst v63  }
0x4a: {  	v3 =	vld [tilespmem:$0x8030];
	_ =	sdelay $0x4  }
0x4b: {  	v59 =	vshll.u32 v3, $0x2  }
0x4c: {  	v3 =	vand.u32 $0x7, v3;
	v4 =	vand.u32 $0xFFFFFFE0, v59  }
0x4d: {  	v3 =	vor.u32 v3, v4  }
0x4e: {  	v4 =	vperm.xlane v3, v0;
	_ =	sdelay $0x1  }
0x4f: {  	v4 =	vadd.s32 v1, v4;
	_ =	sdelay $0x1  }
0x50: {  	v3 =	vperm.xlane v3, v2;
	_ =	sdelay $0x1  }
0x51: {  	v3 =	vadd.s32 v1, v3  }
0x52: {  	[hbm4b:s3+s2] =	stream.indirect_vreg.scatter [tilespmem:s23], [sflag:$0x1], $0x80, v4, vm0, $0xb8;
	[tilespmem:$0x8100] =	vst v63  }
0x53: {  	_ = 	snop  }
0x54: {  	[hbm4b:s7+s2] =	stream.indirect_vreg.scatter [tilespmem:s24], [sflag:$0x1], $0x80, v4, vm0, $0xb8;
	[tilespmem:$0x8100] =	vst v63  }
0x55: {  	_ = 	snop  }
0x56: {  	[hbm4b:s3+s2] =	stream.indirect_vreg.scatter [tilespmem:s25], [sflag:$0x1], $0x80, v3, vm0, $0xb8;
	[tilespmem:$0x8100] =	vst v63  }
0x57: {  	_ = 	snop  }
0x58: {  	[hbm4b:s7+s2] =	stream.indirect_vreg.scatter [tilespmem:s26], [sflag:$0x1], $0x80, v3, vm0, $0xb8;
	[tilespmem:$0x8100] =	vst v63  }
0x59: {  	v3 =	vld [tilespmem:$0x8080];
	_ =	sdelay $0x4  }
0x5a: {  	v60 =	vshll.u32 v3, $0x2  }
0x5b: {  	v3 =	vand.u32 $0x7, v3;
	v4 =	vand.u32 $0xFFFFFFE0, v60  }
0x5c: {  	v3 =	vor.u32 v3, v4  }
0x5d: {  	v4 =	vperm.xlane v3, v0;
	_ =	sdelay $0x1  }
0x5e: {  	v4 =	vadd.s32 v1, v4;
	_ =	sdelay $0x1  }
0x5f: {  	v3 =	vperm.xlane v3, v2;
	_ =	sdelay $0x1  }
0x60: {  	v3 =	vadd.s32 v1, v3  }
0x61: {  	[hbm4b:s3+s2] =	stream.indirect_vreg.scatter [tilespmem:s2], [sflag:$0x1], $0x80, v4, vm0, $0xb8;
	[tilespmem:$0x8100] =	vst v63  }
0x62: {  	_ = 	snop  }
0x63: {  	[hbm4b:s7+s2] =	stream.indirect_vreg.scatter [tilespmem:s12], [sflag:$0x1], $0x80, v4, vm0, $0xb8;
	[tilespmem:$0x8100] =	vst v63  }
0x64: {  	_ = 	snop  }
0x65: {  	[hbm4b:s3+s2] =	stream.indirect_vreg.scatter [tilespmem:s13], [sflag:$0x1], $0x80, v3, vm0, $0xb8;
	[tilespmem:$0x8100] =	vst v63  }
0x66: {  	_ = 	snop  }
0x67: {  	[hbm4b:s7+s2] =	stream.indirect_vreg.scatter [tilespmem:s14], [sflag:$0x1], $0x80, v3, vm0, $0xb8;
	[tilespmem:$0x8100] =	vst v63  }
0x68: {  	v3 =	vld [tilespmem:$0x8090];
	_ =	sdelay $0x4  }
0x69: {  	v61 =	vshll.u32 v3, $0x2  }
0x6a: {  	v3 =	vand.u32 $0x7, v3;
	v4 =	vand.u32 $0xFFFFFFE0, v61  }
0x6b: {  	v3 =	vor.u32 v3, v4  }
0x6c: {  	v4 =	vperm.xlane v3, v0;
	_ =	sdelay $0x1  }
0x6d: {  	v4 =	vadd.s32 v1, v4;
	_ =	sdelay $0x1  }
0x6e: {  	v3 =	vperm.xlane v3, v2;
	_ =	sdelay $0x1  }
0x6f: {  	v3 =	vadd.s32 v1, v3  }
0x70: {  	[hbm4b:s3+s2] =	stream.indirect_vreg.scatter [tilespmem:s15], [sflag:$0x1], $0x80, v4, vm0, $0xb8;
	[tilespmem:$0x8100] =	vst v63  }
0x71: {  	_ = 	snop  }
0x72: {  	[hbm4b:s7+s2] =	stream.indirect_vreg.scatter [tilespmem:s16], [sflag:$0x1], $0x80, v4, vm0, $0xb8;
	[tilespmem:$0x8100] =	vst v63  }
0x73: {  	_ = 	snop  }
0x74: {  	[hbm4b:s3+s2] =	stream.indirect_vreg.scatter [tilespmem:s17], [sflag:$0x1], $0x80, v3, vm0, $0xb8;
	[tilespmem:$0x8100] =	vst v63  }
0x75: {  	_ = 	snop  }
0x76: {  	[hbm4b:s7+s2] =	stream.indirect_vreg.scatter [tilespmem:s18], [sflag:$0x1], $0x80, v3, vm0, $0xb8;
	[tilespmem:$0x8100] =	vst v63  }
0x77: {  	v3 =	vld [tilespmem:$0x80A0];
	_ =	sdelay $0x4  }
0x78: {  	v62 =	vshll.u32 v3, $0x2  }
0x79: {  	v3 =	vand.u32 $0x7, v3;
	v4 =	vand.u32 $0xFFFFFFE0, v62  }
0x7a: {  	v3 =	vor.u32 v3, v4  }
0x7b: {  	v4 =	vperm.xlane v3, v0;
	_ =	sdelay $0x1  }
0x7c: {  	v4 =	vadd.s32 v1, v4;
	_ =	sdelay $0x1  }
0x7d: {  	v3 =	vperm.xlane v3, v2;
	_ =	sdelay $0x1  }
0x7e: {  	v3 =	vadd.s32 v1, v3  }
0x7f: {  	[hbm4b:s3+s2] =	stream.indirect_vreg.scatter [tilespmem:s19], [sflag:$0x1], $0x80, v4, vm0, $0xb8;
	[tilespmem:$0x8100] =	vst v63  }
0x80: {  	_ = 	snop  }
0x81: {  	[hbm4b:s7+s2] =	stream.indirect_vreg.scatter [tilespmem:s20], [sflag:$0x1], $0x80, v4, vm0, $0xb8;
	[tilespmem:$0x8100] =	vst v63  }
0x82: {  	_ = 	snop  }
0x83: {  	[hbm4b:s3+s2] =	stream.indirect_vreg.scatter [tilespmem:s21], [sflag:$0x1], $0x80, v3, vm0, $0xb8;
	[tilespmem:$0x8100] =	vst v63  }
0x84: {  	_ = 	snop  }
0x85: {  	[hbm4b:s7+s2] =	stream.indirect_vreg.scatter [tilespmem:s22], [sflag:$0x1], $0x80, v3, vm0, $0xb8;
	[tilespmem:$0x8100] =	vst v63  }
0x86: {  	v3 =	vld [tilespmem:$0x80B0];
	_ =	sdelay $0x4  }
0x87: {  	v63 =	vshll.u32 v3, $0x2  }
0x88: {  	v3 =	vand.u32 $0x7, v3;
	v4 =	vand.u32 $0xFFFFFFE0, v63  }
0x89: {  	v3 =	vor.u32 v3, v4  }
0x8a: {  	v4 =	vperm.xlane v3, v0;
	_ =	sdelay $0x1  }
0x8b: {  	v4 =	vadd.s32 v1, v4;
	_ =	sdelay $0x1  }
0x8c: {  	v3 =	vperm.xlane v3, v2;
	_ =	sdelay $0x1  }
0x8d: {  	v3 =	vadd.s32 v1, v3  }
0x8e: {  	[hbm4b:s3+s2] =	stream.indirect_vreg.scatter [tilespmem:s23], [sflag:$0x1], $0x80, v4, vm0, $0xb8;
	[tilespmem:$0x8100] =	vst v63  }
0x8f: {  	_ = 	snop  }
0x90: {  	[hbm4b:s7+s2] =	stream.indirect_vreg.scatter [tilespmem:s24], [sflag:$0x1], $0x80, v4, vm0, $0xb8;
	[tilespmem:$0x8100] =	vst v63  }
0x91: {  	_ = 	snop  }
0x92: {  	[hbm4b:s3+s2] =	stream.indirect_vreg.scatter [tilespmem:s25], [sflag:$0x1], $0x80, v3, vm0, $0xb8;
	[tilespmem:$0x8100] =	vst v63  }
0x93: {  	_ = 	snop  }
0x94: {  	[hbm4b:s7+s2] =	stream.indirect_vreg.scatter [tilespmem:s26], [sflag:$0x1], $0x80, v3, vm0, $0xb8;
	[tilespmem:$0x8100] =	vst v63  }
0x95: {  	p0 =	sne.s32 s8, $0x1;
	_ =	swait.ge [sflag:s11], $0x8000  }
.Ltmp0:
0x96: {  	[sflag:s11] =	ssyncset.done $0x0;
	(pc) =	sbr.rel @p0 .LBB2_1-.Ltmp0, $4  }
0x97: {  	[sflag:s11] =	ssyncadd.s32 $0xFFFF8000  }
0x98: {  	_ =	swait.ge [sflag:s11], $0x8000  }
0x99: {  	[sflag:s11] =	ssyncset.done $0x0  }
0x9a: {  	s8 =	sadd.s32 $0xFFFFFFFF, s8;
	[sflag:s11] =	ssyncadd.s32 $0xFFFF8000  }
0x9b: {  	_ =	sfence.sel $0x180000  }
0x9c: {  	[bflag:$0x0] =	sbarrier.arrive $0xFFFF  }
0x9d: {  	p0 =	sne.s32 s0, $0x0;
	_ =	strace $0x90000047  }
0x9e: {  	s0 =	sadd.s32 @!p0 $0x100000, s1;
	[bflag:$0x2] =	sbarrier.arrive $0xFFFF  }
0x9f: {  	[sflag:s0] =	ssyncadd.tile.s32 @!p0 $0x1;
	_ =	shalt  }
.Lfunc_end2:
_tile_overlayer_lowered:
.L_overlay_start_2:
0xa0: {  	(tag) =	ssettag $0x2  }
0xa1: {  	s0 =	rddreg [dreg:$0x0];
	s2 =	stileid.u32  }
0xa2: {  	s1 =	rddreg [dreg:$0x1];
	p0 =	sne.s32 s2, $0x0  }
0xa3: {  	s3 =	rddreg [dreg:$0x2];
	[bflag:$0x3] =	sbarrier.arrive $0xFFFF;
	s2 =	simm.s32 @!p0 $0x1C02  }
0xa4: {  	[timem:s3], [sflag:s2] =	dma.local @!p0 [hbm:s0], s1  }
0xa5: {  	s0 =	simm.s32 @!p0 $0x2  }
0xa6: {  	_ =	swait.ge @!p0 [sflag:s0], s1  }
0xa7: {  	s1 =	ssub.s32 @!p0 $0x0, s1;
	[sflag:s0] =	ssyncset.done @!p0 $0x0  }
0xa8: {  	[sflag:s0] =	ssyncadd.s32 @!p0 s1  }
0xa9: {  	[bflag:$0x3] =	sbarrier.arrive $0xFFFF  }
0xaa: {  	_ =	shalt  }

</sc_bundles>
